<compile_context>
chip_gen: v7x
topology: tpu7x:2x2x1
jax: 0.10.2.dev20260603
libtpu: 0.0.44.dev20260713+nightly
codegen_flags: <defaults>
</compile_context>

<pallas_src>
import functools

import jax
import jax.numpy as jnp
from jax import lax
from jax.experimental import pallas as pl
from jax.experimental.pallas import tpu as pltpu
from jax.experimental.pallas import tpu_sc as plsc

D = 64
SCALE = float(D) ** 0.5

NC = 2
NS = 16
NW = NC * NS
BT = 128


def _fmt_body(w_ref, o_ref):
    xp = (w_ref[...].T * SCALE).reshape(o_ref.shape[0], 2, D)
    o_ref[:, 0:D] = xp[:, 0, :]
    o_ref[:, D:2 * D] = xp[:, 1, :]


def _format_table(weight):
    v = weight.shape[0]
    cols = 8192
    grid = pl.cdiv(v, cols)
    wt = weight.T
    return pl.pallas_call(
        _fmt_body,
        grid=(grid,),
        in_specs=[pl.BlockSpec((D, cols), lambda j: (0, j))],
        out_specs=pl.BlockSpec((cols // 2, 2 * D), lambda j: (j, 0)),
        out_shape=jax.ShapeDtypeStruct((v // 2, 2 * D), jnp.float32),
    )(wt)


def _make_gather(S, NB):
    ntiles = S * (NB // BT)
    tpw = ntiles // NW
    nbt = NB // BT
    mesh = plsc.VectorSubcoreMesh(core_axis_name="c", subcore_axis_name="s")

    @functools.partial(
        pl.kernel,
        mesh=mesh,
        out_type=jax.ShapeDtypeStruct((S, 8, NB // BT, 8, BT), jnp.float32),
        scratch_types=[
            pltpu.VMEM((BT,), jnp.int32),
            pltpu.VMEM((BT,), jnp.int32),
            pltpu.VMEM((BT, D), jnp.float32),
            pltpu.VMEM((BT, D), jnp.float32),
            pltpu.VMEM((8, 8, BT + 1), jnp.float32),
            pltpu.VMEM((8, 8, BT + 1), jnp.float32),
            pltpu.SemaphoreType.DMA,
            pltpu.SemaphoreType.DMA,
            pltpu.SemaphoreType.DMA,
            pltpu.SemaphoreType.DMA,
            pltpu.SemaphoreType.DMA,
            pltpu.SemaphoreType.DMA,
        ],
        compiler_params=pltpu.CompilerParams(
            use_tc_tiling_on_sc=False, needs_layout_passes=False),
    )
    def gather_k(table_hbm, xt_hbm, out_hbm,
                 idx0, idx1, rows0, rows1, t0, t1,
                 isem0, isem1, gsem0, gsem1, ssem0, ssem1):
        wid = lax.axis_index("s") * NC + lax.axis_index("c")
        tbase = wid * tpw
        last = tpw - 1

        idx_b = (idx0, idx1)
        rows_b = (rows0, rows1)
        t_b = (t0, t1)
        isem_b = (isem0, isem1)
        gsem_b = (gsem0, gsem1)
        ssem_b = (ssem0, ssem1)

        iot = lax.iota(jnp.int32, 16)
        chi = [(iot + 16 * k) // 8 for k in range(4)]
        clo = [(iot + 16 * k) % 8 for k in range(4)]

        def coords(g):
            t = tbase + jnp.minimum(g, last)
            return t // nbt, t % nbt

        def istart(g, b):
            s, bi = coords(g)
            pltpu.make_async_copy(
                xt_hbm.at[s // 8, bi, s % 8], idx_b[b], isem_b[b]).start()

        def iwait(b):
            pltpu.make_async_copy(
                xt_hbm.at[0, 0, 0], idx_b[b], isem_b[b]).wait()

        def gstart(b):
            pltpu.make_async_copy(
                table_hbm.at[idx_b[b]], rows_b[b], gsem_b[b]).start()

        def gwait(b):
            pltpu.make_async_copy(
                table_hbm.at[idx_b[b]], rows_b[b], gsem_b[b]).wait()

        def sstart(g, b):
            s, bi = coords(g)
            pltpu.make_async_copy(
                t_b[b].at[:, :, pl.ds(0, BT)], out_hbm.at[s, :, bi],
                ssem_b[b]).start()

        def swait(b):
            pltpu.make_async_copy(
                t_b[b].at[:, :, pl.ds(0, BT)], out_hbm.at[0, :, 0],
                ssem_b[b]).wait()

        def transpose_scale(rb, tb):
            rows, t = rows_b[rb], t_b[tb]

            @plsc.parallel_loop(0, BT, step=1, unroll=16)
            def brow(r):
                vb = jnp.full((16,), r, jnp.int32)
                for k in range(4):
                    v = rows[r, pl.ds(16 * k, 16)]
                    plsc.store_scatter(t, [chi[k], clo[k], vb], v)

        istart(0, 0)
        iwait(0)
        gstart(0)
        istart(1, 1)

        def body(g, b0, b1):
            gwait(b0)
            iwait(b1)
            gstart(b1)

            @pl.when(g >= 2)
            def _():
                swait(b0)

            transpose_scale(b0, b0)
            sstart(g, b0)
            istart(g + 2, b0)

        def loop(j, carry):
            body(2 * j, 0, 1)
            body(2 * j + 1, 1, 0)
            return carry

        lax.fori_loop(0, tpw // 2, loop, 0)

        swait(0)
        swait(1)
        gwait(0)
        iwait(1)

    return gather_k


@jax.jit
def kernel(x, weight):
    b0, b1 = x.shape
    x4 = x.T.reshape(b1 // 8, 8, b0 // BT, BT).transpose(0, 2, 1, 3)
    table = _format_table(weight).reshape(weight.shape)
    out5 = _make_gather(b1, b0)(table, x4.astype(jnp.int32))
    return out5.transpose(2, 4, 0, 1, 3).reshape(b0, b1, D)

# --- scband reference (transcript-rebuilt; emitter-appended) ---
"""Pipeline reference for scband-embedding-58841051955533 (READ-ONLY COPY).

The authoritative reference and input builder live on the scoring server;
editing this copy changes nothing except your own understanding.
"""

import jax, jax.numpy as jnp
import numpy as np

EMB_SIZE = 1000000
EMB_DIM = 64

def setup_inputs(seed: int = 0) -> dict:
    key = jax.random.key(seed)
    k1, k2 = jax.random.split(key)
    x = jax.random.randint(k1, (16384, 200), 0, EMB_SIZE, dtype=jnp.int64 if jax.config.jax_enable_x64 else jnp.int32)
    # learned embedding table, init normal(0, emb_dim**-0.5) per do_weight_init=True
    weight = jax.random.normal(k2, (EMB_SIZE, EMB_DIM), dtype=jnp.float32) * (EMB_DIM ** -0.5)
    return {"x": x, "weight": weight}

def reference(x, weight):
    scale_factor = EMB_DIM ** 0.5
    emb = jnp.take(weight, x, axis=0)
    return scale_factor * emb

if __name__ == "__main__":
    import jax
    _d = setup_inputs()
    print(jax.jit(kernel)(*tuple(_d.values())))

</pallas_src>

<mosaic_0001>
#map = affine_map<(d0, d1) -> (0, 0)>
#map1 = affine_map<(d0, d1) -> (0, 0, 0, 0)>
#map2 = affine_map<(d0, d1) -> (0, 0, 0, 0, 0)>
module attributes {stable_mosaic.version = 14 : i64} {
  func.func @gather_k(%arg0: i32, %arg1: i32, %arg2: memref<1000000x64xf32, #tpu.memory_space<hbm>>, %arg3: memref<25x128x8x128xi32, #tpu.memory_space<hbm>>, %arg4: memref<200x8x128x8x128xf32, #tpu.memory_space<hbm>>, %arg5: memref<128xi32, #tpu.memory_space<vmem>>, %arg6: memref<128xi32, #tpu.memory_space<vmem>>, %arg7: memref<128x64xf32, #tpu.memory_space<vmem>>, %arg8: memref<128x64xf32, #tpu.memory_space<vmem>>, %arg9: memref<8x8x129xf32, #tpu.memory_space<vmem>>, %arg10: memref<8x8x129xf32, #tpu.memory_space<vmem>>, %arg11: memref<!tpu.dma_semaphore, #tpu.memory_space<semaphore_mem>>, %arg12: memref<!tpu.dma_semaphore, #tpu.memory_space<semaphore_mem>>, %arg13: memref<!tpu.dma_semaphore, #tpu.memory_space<semaphore_mem>>, %arg14: memref<!tpu.dma_semaphore, #tpu.memory_space<semaphore_mem>>, %arg15: memref<!tpu.dma_semaphore, #tpu.memory_space<semaphore_mem>>, %arg16: memref<!tpu.dma_semaphore, #tpu.memory_space<semaphore_mem>>) attributes {dimension_semantics = [#tpu.dimension_semantics<core_parallel>, #tpu.dimension_semantics<subcore_parallel>], iteration_bounds = array<i64: 2, 16>, scalar_prefetch = 0 : i64, scratch_operands = 12 : i64, tpu.core_type = #tpu.core_type<sc_vector_subcore>, window_params = [{transform_indices = #map}, {transform_indices = #map1}, {transform_indices = #map2}]} {
    %mul3A = arith.constant 2 : i32
    %mul3A_0 = arith.muli %arg1, %mul3A : i32
    %add3A = arith.addi %mul3A_0, %arg0 : i32
    %mul3A_1 = arith.constant 800 : i32
    %mul3A_2 = arith.muli %add3A, %mul3A_1 : i32
    %iota3A = tpu.iota {dimensions = array<i32: 0>} : vector<16xi32>
    %add3A_3 = arith.constant 0 : i32
    %add3A_4 = vector.broadcast %add3A_3 : i32 to vector<16xi32>
    %add3A_5 = arith.addi %iota3A, %add3A_4 : vector<16xi32>
    %jit3A = arith.constant 8 : i32
    %div3A = vector.broadcast %jit3A : i32 to vector<16xi32>
    %div3A_6 = arith.divsi %add3A_5, %div3A : vector<16xi32>
    %sign3A = arith.constant 0 : i32
    %sign3A_7 = vector.broadcast %sign3A : i32 to vector<16xi32>
    %sign3A_8 = arith.cmpi sgt, %add3A_5, %sign3A_7 : vector<16xi32>
    %sign3A_9 = arith.extui %sign3A_8 : vector<16xi1> to vector<16xi32>
    %sign3A_10 = arith.constant 0 : i32
    %sign3A_11 = vector.broadcast %sign3A_10 : i32 to vector<16xi32>
    %sign3A_12 = arith.cmpi slt, %add3A_5, %sign3A_11 : vector<16xi32>
    %sign3A_13 = arith.extui %sign3A_12 : vector<16xi1> to vector<16xi32>
    %sign3A_14 = arith.subi %sign3A_9, %sign3A_13 : vector<16xi32>
    %sign3A_15 = arith.constant 0 : i32
    %sign3A_16 = arith.cmpi sgt, %jit3A, %sign3A_15 : i32
    %sign3A_17 = arith.extui %sign3A_16 : i1 to i32
    %sign3A_18 = arith.constant 0 : i32
    %sign3A_19 = arith.cmpi slt, %jit3A, %sign3A_18 : i32
    %sign3A_20 = arith.extui %sign3A_19 : i1 to i32
    %sign3A_21 = arith.subi %sign3A_17, %sign3A_20 : i32
    %ne3A = vector.broadcast %sign3A_21 : i32 to vector<16xi32>
    %ne3A_22 = arith.cmpi ne, %sign3A_14, %ne3A : vector<16xi32>
    %rem3A = vector.broadcast %jit3A : i32 to vector<16xi32>
    %rem3A_23 = arith.remsi %add3A_5, %rem3A : vector<16xi32>
    %ne3A_24 = arith.constant 0 : i32
    %ne3A_25 = vector.broadcast %ne3A_24 : i32 to vector<16xi32>
    %ne3A_26 = arith.cmpi ne, %rem3A_23, %ne3A_25 : vector<16xi32>
    %and3A = arith.andi %ne3A_22, %ne3A_26 : vector<16xi1>
    %sub3A = arith.constant 1 : i32
    %sub3A_27 = vector.broadcast %sub3A : i32 to vector<16xi32>
    %sub3A_28 = arith.subi %div3A_6, %sub3A_27 : vector<16xi32>
    %select_n3A = arith.select %and3A, %sub3A_28, %div3A_6 : vector<16xi1>, vector<16xi32>
    %add3A_29 = arith.constant 16 : i32
    %add3A_30 = vector.broadcast %add3A_29 : i32 to vector<16xi32>
    %add3A_31 = arith.addi %iota3A, %add3A_30 : vector<16xi32>
    %jit3A_32 = arith.constant 8 : i32
    %div3A_33 = vector.broadcast %jit3A_32 : i32 to vector<16xi32>
    %div3A_34 = arith.divsi %add3A_31, %div3A_33 : vector<16xi32>
    %sign3A_35 = arith.constant 0 : i32
    %sign3A_36 = vector.broadcast %sign3A_35 : i32 to vector<16xi32>
    %sign3A_37 = arith.cmpi sgt, %add3A_31, %sign3A_36 : vector<16xi32>
    %sign3A_38 = arith.extui %sign3A_37 : vector<16xi1> to vector<16xi32>
    %sign3A_39 = arith.constant 0 : i32
    %sign3A_40 = vector.broadcast %sign3A_39 : i32 to vector<16xi32>
    %sign3A_41 = arith.cmpi slt, %add3A_31, %sign3A_40 : vector<16xi32>
    %sign3A_42 = arith.extui %sign3A_41 : vector<16xi1> to vector<16xi32>
    %sign3A_43 = arith.subi %sign3A_38, %sign3A_42 : vector<16xi32>
    %sign3A_44 = arith.constant 0 : i32
    %sign3A_45 = arith.cmpi sgt, %jit3A_32, %sign3A_44 : i32
    %sign3A_46 = arith.extui %sign3A_45 : i1 to i32
    %sign3A_47 = arith.constant 0 : i32
    %sign3A_48 = arith.cmpi slt, %jit3A_32, %sign3A_47 : i32
    %sign3A_49 = arith.extui %sign3A_48 : i1 to i32
    %sign3A_50 = arith.subi %sign3A_46, %sign3A_49 : i32
    %ne3A_51 = vector.broadcast %sign3A_50 : i32 to vector<16xi32>
    %ne3A_52 = arith.cmpi ne, %sign3A_43, %ne3A_51 : vector<16xi32>
    %rem3A_53 = vector.broadcast %jit3A_32 : i32 to vector<16xi32>
    %rem3A_54 = arith.remsi %add3A_31, %rem3A_53 : vector<16xi32>
    %ne3A_55 = arith.constant 0 : i32
    %ne3A_56 = vector.broadcast %ne3A_55 : i32 to vector<16xi32>
    %ne3A_57 = arith.cmpi ne, %rem3A_54, %ne3A_56 : vector<16xi32>
    %and3A_58 = arith.andi %ne3A_52, %ne3A_57 : vector<16xi1>
    %sub3A_59 = arith.constant 1 : i32
    %sub3A_60 = vector.broadcast %sub3A_59 : i32 to vector<16xi32>
    %sub3A_61 = arith.subi %div3A_34, %sub3A_60 : vector<16xi32>
    %select_n3A_62 = arith.select %and3A_58, %sub3A_61, %div3A_34 : vector<16xi1>, vector<16xi32>
    %add3A_63 = arith.constant 32 : i32
    %add3A_64 = vector.broadcast %add3A_63 : i32 to vector<16xi32>
    %add3A_65 = arith.addi %iota3A, %add3A_64 : vector<16xi32>
    %jit3A_66 = arith.constant 8 : i32
    %div3A_67 = vector.broadcast %jit3A_66 : i32 to vector<16xi32>
    %div3A_68 = arith.divsi %add3A_65, %div3A_67 : vector<16xi32>
    %sign3A_69 = arith.constant 0 : i32
    %sign3A_70 = vector.broadcast %sign3A_69 : i32 to vector<16xi32>
    %sign3A_71 = arith.cmpi sgt, %add3A_65, %sign3A_70 : vector<16xi32>
    %sign3A_72 = arith.extui %sign3A_71 : vector<16xi1> to vector<16xi32>
    %sign3A_73 = arith.constant 0 : i32
    %sign3A_74 = vector.broadcast %sign3A_73 : i32 to vector<16xi32>
    %sign3A_75 = arith.cmpi slt, %add3A_65, %sign3A_74 : vector<16xi32>
    %sign3A_76 = arith.extui %sign3A_75 : vector<16xi1> to vector<16xi32>
    %sign3A_77 = arith.subi %sign3A_72, %sign3A_76 : vector<16xi32>
    %sign3A_78 = arith.constant 0 : i32
    %sign3A_79 = arith.cmpi sgt, %jit3A_66, %sign3A_78 : i32
    %sign3A_80 = arith.extui %sign3A_79 : i1 to i32
    %sign3A_81 = arith.constant 0 : i32
    %sign3A_82 = arith.cmpi slt, %jit3A_66, %sign3A_81 : i32
    %sign3A_83 = arith.extui %sign3A_82 : i1 to i32
    %sign3A_84 = arith.subi %sign3A_80, %sign3A_83 : i32
    %ne3A_85 = vector.broadcast %sign3A_84 : i32 to vector<16xi32>
    %ne3A_86 = arith.cmpi ne, %sign3A_77, %ne3A_85 : vector<16xi32>
    %rem3A_87 = vector.broadcast %jit3A_66 : i32 to vector<16xi32>
    %rem3A_88 = arith.remsi %add3A_65, %rem3A_87 : vector<16xi32>
    %ne3A_89 = arith.constant 0 : i32
    %ne3A_90 = vector.broadcast %ne3A_89 : i32 to vector<16xi32>
    %ne3A_91 = arith.cmpi ne, %rem3A_88, %ne3A_90 : vector<16xi32>
    %and3A_92 = arith.andi %ne3A_86, %ne3A_91 : vector<16xi1>
    %sub3A_93 = arith.constant 1 : i32
    %sub3A_94 = vector.broadcast %sub3A_93 : i32 to vector<16xi32>
    %sub3A_95 = arith.subi %div3A_68, %sub3A_94 : vector<16xi32>
    %select_n3A_96 = arith.select %and3A_92, %sub3A_95, %div3A_68 : vector<16xi1>, vector<16xi32>
    %add3A_97 = arith.constant 48 : i32
    %add3A_98 = vector.broadcast %add3A_97 : i32 to vector<16xi32>
    %add3A_99 = arith.addi %iota3A, %add3A_98 : vector<16xi32>
    %jit3A_100 = arith.constant 8 : i32
    %div3A_101 = vector.broadcast %jit3A_100 : i32 to vector<16xi32>
    %div3A_102 = arith.divsi %add3A_99, %div3A_101 : vector<16xi32>
    %sign3A_103 = arith.constant 0 : i32
    %sign3A_104 = vector.broadcast %sign3A_103 : i32 to vector<16xi32>
    %sign3A_105 = arith.cmpi sgt, %add3A_99, %sign3A_104 : vector<16xi32>
    %sign3A_106 = arith.extui %sign3A_105 : vector<16xi1> to vector<16xi32>
    %sign3A_107 = arith.constant 0 : i32
    %sign3A_108 = vector.broadcast %sign3A_107 : i32 to vector<16xi32>
    %sign3A_109 = arith.cmpi slt, %add3A_99, %sign3A_108 : vector<16xi32>
    %sign3A_110 = arith.extui %sign3A_109 : vector<16xi1> to vector<16xi32>
    %sign3A_111 = arith.subi %sign3A_106, %sign3A_110 : vector<16xi32>
    %sign3A_112 = arith.constant 0 : i32
    %sign3A_113 = arith.cmpi sgt, %jit3A_100, %sign3A_112 : i32
    %sign3A_114 = arith.extui %sign3A_113 : i1 to i32
    %sign3A_115 = arith.constant 0 : i32
    %sign3A_116 = arith.cmpi slt, %jit3A_100, %sign3A_115 : i32
    %sign3A_117 = arith.extui %sign3A_116 : i1 to i32
    %sign3A_118 = arith.subi %sign3A_114, %sign3A_117 : i32
    %ne3A_119 = vector.broadcast %sign3A_118 : i32 to vector<16xi32>
    %ne3A_120 = arith.cmpi ne, %sign3A_111, %ne3A_119 : vector<16xi32>
    %rem3A_121 = vector.broadcast %jit3A_100 : i32 to vector<16xi32>
    %rem3A_122 = arith.remsi %add3A_99, %rem3A_121 : vector<16xi32>
    %ne3A_123 = arith.constant 0 : i32
    %ne3A_124 = vector.broadcast %ne3A_123 : i32 to vector<16xi32>
    %ne3A_125 = arith.cmpi ne, %rem3A_122, %ne3A_124 : vector<16xi32>
    %and3A_126 = arith.andi %ne3A_120, %ne3A_125 : vector<16xi1>
    %sub3A_127 = arith.constant 1 : i32
    %sub3A_128 = vector.broadcast %sub3A_127 : i32 to vector<16xi32>
    %sub3A_129 = arith.subi %div3A_102, %sub3A_128 : vector<16xi32>
    %select_n3A_130 = arith.select %and3A_126, %sub3A_129, %div3A_102 : vector<16xi1>, vector<16xi32>
    %add3A_131 = arith.constant 0 : i32
    %add3A_132 = vector.broadcast %add3A_131 : i32 to vector<16xi32>
    %add3A_133 = arith.addi %iota3A, %add3A_132 : vector<16xi32>
    %jit3A_134 = arith.constant 8 : i32
    %eq3A = arith.constant 0 : i32
    %eq3A_135 = arith.cmpi eq, %jit3A_134, %eq3A : i32
    %jit3A_136 = arith.constant 1 : i32
    %select_n3A_137 = arith.select %eq3A_135, %jit3A_136, %jit3A_134 : i32
    %rem3A_138 = vector.broadcast %select_n3A_137 : i32 to vector<16xi32>
    %rem3A_139 = arith.remsi %add3A_133, %rem3A_138 : vector<16xi32>
    %ne3A_140 = arith.constant 0 : i32
    %ne3A_141 = vector.broadcast %ne3A_140 : i32 to vector<16xi32>
    %ne3A_142 = arith.cmpi ne, %rem3A_139, %ne3A_141 : vector<16xi32>
    %lt3A = arith.constant 0 : i32
    %lt3A_143 = vector.broadcast %lt3A : i32 to vector<16xi32>
    %lt3A_144 = arith.cmpi slt, %rem3A_139, %lt3A_143 : vector<16xi32>
    %lt3A_145 = arith.constant 0 : i32
    %lt3A_146 = arith.cmpi slt, %select_n3A_137, %lt3A_145 : i32
    %ne3A_147 = vector.broadcast %lt3A_146 : i1 to vector<16xi1>
    %ne3A_148 = vector.broadcast %ne3A_147 : vector<16xi1> to vector<16xi1>
    %ne3A_149 = arith.xori %lt3A_144, %ne3A_148 : vector<16xi1>
    %and3A_150 = arith.andi %ne3A_149, %ne3A_142 : vector<16xi1>
    %add3A_151 = vector.broadcast %select_n3A_137 : i32 to vector<16xi32>
    %add3A_152 = arith.addi %rem3A_139, %add3A_151 : vector<16xi32>
    %select_n3A_153 = arith.select %and3A_150, %add3A_152, %rem3A_139 : vector<16xi1>, vector<16xi32>
    %add3A_154 = arith.constant 16 : i32
    %add3A_155 = vector.broadcast %add3A_154 : i32 to vector<16xi32>
    %add3A_156 = arith.addi %iota3A, %add3A_155 : vector<16xi32>
    %jit3A_157 = arith.constant 8 : i32
    %eq3A_158 = arith.constant 0 : i32
    %eq3A_159 = arith.cmpi eq, %jit3A_157, %eq3A_158 : i32
    %jit3A_160 = arith.constant 1 : i32
    %select_n3A_161 = arith.select %eq3A_159, %jit3A_160, %jit3A_157 : i32
    %rem3A_162 = vector.broadcast %select_n3A_161 : i32 to vector<16xi32>
    %rem3A_163 = arith.remsi %add3A_156, %rem3A_162 : vector<16xi32>
    %ne3A_164 = arith.constant 0 : i32
    %ne3A_165 = vector.broadcast %ne3A_164 : i32 to vector<16xi32>
    %ne3A_166 = arith.cmpi ne, %rem3A_163, %ne3A_165 : vector<16xi32>
    %lt3A_167 = arith.constant 0 : i32
    %lt3A_168 = vector.broadcast %lt3A_167 : i32 to vector<16xi32>
    %lt3A_169 = arith.cmpi slt, %rem3A_163, %lt3A_168 : vector<16xi32>
    %lt3A_170 = arith.constant 0 : i32
    %lt3A_171 = arith.cmpi slt, %select_n3A_161, %lt3A_170 : i32
    %ne3A_172 = vector.broadcast %lt3A_171 : i1 to vector<16xi1>
    %ne3A_173 = vector.broadcast %ne3A_172 : vector<16xi1> to vector<16xi1>
    %ne3A_174 = arith.xori %lt3A_169, %ne3A_173 : vector<16xi1>
    %and3A_175 = arith.andi %ne3A_174, %ne3A_166 : vector<16xi1>
    %add3A_176 = vector.broadcast %select_n3A_161 : i32 to vector<16xi32>
    %add3A_177 = arith.addi %rem3A_163, %add3A_176 : vector<16xi32>
    %select_n3A_178 = arith.select %and3A_175, %add3A_177, %rem3A_163 : vector<16xi1>, vector<16xi32>
    %add3A_179 = arith.constant 32 : i32
    %add3A_180 = vector.broadcast %add3A_179 : i32 to vector<16xi32>
    %add3A_181 = arith.addi %iota3A, %add3A_180 : vector<16xi32>
    %jit3A_182 = arith.constant 8 : i32
    %eq3A_183 = arith.constant 0 : i32
    %eq3A_184 = arith.cmpi eq, %jit3A_182, %eq3A_183 : i32
    %jit3A_185 = arith.constant 1 : i32
    %select_n3A_186 = arith.select %eq3A_184, %jit3A_185, %jit3A_182 : i32
    %rem3A_187 = vector.broadcast %select_n3A_186 : i32 to vector<16xi32>
    %rem3A_188 = arith.remsi %add3A_181, %rem3A_187 : vector<16xi32>
    %ne3A_189 = arith.constant 0 : i32
    %ne3A_190 = vector.broadcast %ne3A_189 : i32 to vector<16xi32>
    %ne3A_191 = arith.cmpi ne, %rem3A_188, %ne3A_190 : vector<16xi32>
    %lt3A_192 = arith.constant 0 : i32
    %lt3A_193 = vector.broadcast %lt3A_192 : i32 to vector<16xi32>
    %lt3A_194 = arith.cmpi slt, %rem3A_188, %lt3A_193 : vector<16xi32>
    %lt3A_195 = arith.constant 0 : i32
    %lt3A_196 = arith.cmpi slt, %select_n3A_186, %lt3A_195 : i32
    %ne3A_197 = vector.broadcast %lt3A_196 : i1 to vector<16xi1>
    %ne3A_198 = vector.broadcast %ne3A_197 : vector<16xi1> to vector<16xi1>
    %ne3A_199 = arith.xori %lt3A_194, %ne3A_198 : vector<16xi1>
    %and3A_200 = arith.andi %ne3A_199, %ne3A_191 : vector<16xi1>
    %add3A_201 = vector.broadcast %select_n3A_186 : i32 to vector<16xi32>
    %add3A_202 = arith.addi %rem3A_188, %add3A_201 : vector<16xi32>
    %select_n3A_203 = arith.select %and3A_200, %add3A_202, %rem3A_188 : vector<16xi1>, vector<16xi32>
    %add3A_204 = arith.constant 48 : i32
    %add3A_205 = vector.broadcast %add3A_204 : i32 to vector<16xi32>
    %add3A_206 = arith.addi %iota3A, %add3A_205 : vector<16xi32>
    %jit3A_207 = arith.constant 8 : i32
    %eq3A_208 = arith.constant 0 : i32
    %eq3A_209 = arith.cmpi eq, %jit3A_207, %eq3A_208 : i32
    %jit3A_210 = arith.constant 1 : i32
    %select_n3A_211 = arith.select %eq3A_209, %jit3A_210, %jit3A_207 : i32
    %rem3A_212 = vector.broadcast %select_n3A_211 : i32 to vector<16xi32>
    %rem3A_213 = arith.remsi %add3A_206, %rem3A_212 : vector<16xi32>
    %ne3A_214 = arith.constant 0 : i32
    %ne3A_215 = vector.broadcast %ne3A_214 : i32 to vector<16xi32>
    %ne3A_216 = arith.cmpi ne, %rem3A_213, %ne3A_215 : vector<16xi32>
    %lt3A_217 = arith.constant 0 : i32
    %lt3A_218 = vector.broadcast %lt3A_217 : i32 to vector<16xi32>
    %lt3A_219 = arith.cmpi slt, %rem3A_213, %lt3A_218 : vector<16xi32>
    %lt3A_220 = arith.constant 0 : i32
    %lt3A_221 = arith.cmpi slt, %select_n3A_211, %lt3A_220 : i32
    %ne3A_222 = vector.broadcast %lt3A_221 : i1 to vector<16xi1>
    %ne3A_223 = vector.broadcast %ne3A_222 : vector<16xi1> to vector<16xi1>
    %ne3A_224 = arith.xori %lt3A_219, %ne3A_223 : vector<16xi1>
    %and3A_225 = arith.andi %ne3A_224, %ne3A_216 : vector<16xi1>
    %add3A_226 = vector.broadcast %select_n3A_211 : i32 to vector<16xi32>
    %add3A_227 = arith.addi %rem3A_213, %add3A_226 : vector<16xi32>
    %select_n3A_228 = arith.select %and3A_225, %add3A_227, %rem3A_213 : vector<16xi1>, vector<16xi32>
    %min3A = arith.constant 0 : i32
    %min3A_229 = arith.constant 799 : i32
    %min3A_230 = arith.minsi %min3A, %min3A_229 : i32
    %add3A_231 = arith.addi %mul3A_2, %min3A_230 : i32
    %jit3A_232 = arith.constant 128 : i32
    %div3A_233 = arith.divsi %add3A_231, %jit3A_232 : i32
    %sign3A_234 = arith.constant 0 : i32
    %sign3A_235 = arith.cmpi sgt, %add3A_231, %sign3A_234 : i32
    %sign3A_236 = arith.extui %sign3A_235 : i1 to i32
    %sign3A_237 = arith.constant 0 : i32
    %sign3A_238 = arith.cmpi slt, %add3A_231, %sign3A_237 : i32
    %sign3A_239 = arith.extui %sign3A_238 : i1 to i32
    %sign3A_240 = arith.subi %sign3A_236, %sign3A_239 : i32
    %sign3A_241 = arith.constant 0 : i32
    %sign3A_242 = arith.cmpi sgt, %jit3A_232, %sign3A_241 : i32
    %sign3A_243 = arith.extui %sign3A_242 : i1 to i32
    %sign3A_244 = arith.constant 0 : i32
    %sign3A_245 = arith.cmpi slt, %jit3A_232, %sign3A_244 : i32
    %sign3A_246 = arith.extui %sign3A_245 : i1 to i32
    %sign3A_247 = arith.subi %sign3A_243, %sign3A_246 : i32
    %ne3A_248 = arith.cmpi ne, %sign3A_240, %sign3A_247 : i32
    %rem3A_249 = arith.remsi %add3A_231, %jit3A_232 : i32
    %ne3A_250 = arith.constant 0 : i32
    %ne3A_251 = arith.cmpi ne, %rem3A_249, %ne3A_250 : i32
    %and3A_252 = arith.andi %ne3A_248, %ne3A_251 : i1
    %sub3A_253 = arith.constant 1 : i32
    %sub3A_254 = arith.subi %div3A_233, %sub3A_253 : i32
    %select_n3A_255 = arith.select %and3A_252, %sub3A_254, %div3A_233 : i32
    %jit3A_256 = arith.constant 128 : i32
    %eq3A_257 = arith.constant 0 : i32
    %eq3A_258 = arith.cmpi eq, %jit3A_256, %eq3A_257 : i32
    %jit3A_259 = arith.constant 1 : i32
    %select_n3A_260 = arith.select %eq3A_258, %jit3A_259, %jit3A_256 : i32
    %rem3A_261 = arith.remsi %add3A_231, %select_n3A_260 : i32
    %ne3A_262 = arith.constant 0 : i32
    %ne3A_263 = arith.cmpi ne, %rem3A_261, %ne3A_262 : i32
    %lt3A_264 = arith.constant 0 : i32
    %lt3A_265 = arith.cmpi slt, %rem3A_261, %lt3A_264 : i32
    %lt3A_266 = arith.constant 0 : i32
    %lt3A_267 = arith.cmpi slt, %select_n3A_260, %lt3A_266 : i32
    %ne3A_268 = arith.xori %lt3A_265, %lt3A_267 : i1
    %and3A_269 = arith.andi %ne3A_268, %ne3A_263 : i1
    %add3A_270 = arith.addi %rem3A_261, %select_n3A_260 : i32
    %select_n3A_271 = arith.select %and3A_269, %add3A_270, %rem3A_261 : i32
    %jit3A_272 = arith.constant 8 : i32
    %div3A_273 = arith.divsi %select_n3A_255, %jit3A_272 : i32
    %sign3A_274 = arith.constant 0 : i32
    %sign3A_275 = arith.cmpi sgt, %select_n3A_255, %sign3A_274 : i32
    %sign3A_276 = arith.extui %sign3A_275 : i1 to i32
    %sign3A_277 = arith.constant 0 : i32
    %sign3A_278 = arith.cmpi slt, %select_n3A_255, %sign3A_277 : i32
    %sign3A_279 = arith.extui %sign3A_278 : i1 to i32
    %sign3A_280 = arith.subi %sign3A_276, %sign3A_279 : i32
    %sign3A_281 = arith.constant 0 : i32
    %sign3A_282 = arith.cmpi sgt, %jit3A_272, %sign3A_281 : i32
    %sign3A_283 = arith.extui %sign3A_282 : i1 to i32
    %sign3A_284 = arith.constant 0 : i32
    %sign3A_285 = arith.cmpi slt, %jit3A_272, %sign3A_284 : i32
    %sign3A_286 = arith.extui %sign3A_285 : i1 to i32
    %sign3A_287 = arith.subi %sign3A_283, %sign3A_286 : i32
    %ne3A_288 = arith.cmpi ne, %sign3A_280, %sign3A_287 : i32
    %rem3A_289 = arith.remsi %select_n3A_255, %jit3A_272 : i32
    %ne3A_290 = arith.constant 0 : i32
    %ne3A_291 = arith.cmpi ne, %rem3A_289, %ne3A_290 : i32
    %and3A_292 = arith.andi %ne3A_288, %ne3A_291 : i1
    %sub3A_293 = arith.constant 1 : i32
    %sub3A_294 = arith.subi %div3A_273, %sub3A_293 : i32
    %select_n3A_295 = arith.select %and3A_292, %sub3A_294, %div3A_273 : i32
    %jit3A_296 = arith.constant 8 : i32
    %eq3A_297 = arith.constant 0 : i32
    %eq3A_298 = arith.cmpi eq, %jit3A_296, %eq3A_297 : i32
    %jit3A_299 = arith.constant 1 : i32
    %select_n3A_300 = arith.select %eq3A_298, %jit3A_299, %jit3A_296 : i32
    %rem3A_301 = arith.remsi %select_n3A_255, %select_n3A_300 : i32
    %ne3A_302 = arith.constant 0 : i32
    %ne3A_303 = arith.cmpi ne, %rem3A_301, %ne3A_302 : i32
    %lt3A_304 = arith.constant 0 : i32
    %lt3A_305 = arith.cmpi slt, %rem3A_301, %lt3A_304 : i32
    %lt3A_306 = arith.constant 0 : i32
    %lt3A_307 = arith.cmpi slt, %select_n3A_300, %lt3A_306 : i32
    %ne3A_308 = arith.xori %lt3A_305, %lt3A_307 : i1
    %and3A_309 = arith.andi %ne3A_308, %ne3A_303 : i1
    %add3A_310 = arith.addi %rem3A_301, %select_n3A_300 : i32
    %select_n3A_311 = arith.select %and3A_309, %add3A_310, %rem3A_301 : i32
    %dma_start3A = arith.constant 0 : i32
    %dma_start3A_312 = tpu.memref_slice %arg3[%select_n3A_295, %select_n3A_271, %select_n3A_311, %dma_start3A] : memref<25x128x8x128xi32, #tpu.memory_space<hbm>> -> memref<1x1x1x128xi32, #tpu.memory_space<hbm>>
    %dma_start3A_313 = tpu.memref_squeeze %dma_start3A_312 : memref<1x1x1x128xi32, #tpu.memory_space<hbm>> -> memref<128xi32, #tpu.memory_space<hbm>>
    %dma_start3A_314 = arith.constant 0 : i32
    %dma_start3A_315 = tpu.memref_slice %arg3[%select_n3A_295, %select_n3A_271, %select_n3A_311, %dma_start3A_314] : memref<25x128x8x128xi32, #tpu.memory_space<hbm>> -> memref<1x1x1x128xi32, #tpu.memory_space<hbm>>
    %dma_start3A_316 = tpu.memref_squeeze %dma_start3A_315 : memref<1x1x1x128xi32, #tpu.memory_space<hbm>> -> memref<128xi32, #tpu.memory_space<hbm>>
    tpu.enqueue_dma source(%dma_start3A_316 : memref<128xi32, #tpu.memory_space<hbm>>) target(%arg5 : memref<128xi32, #tpu.memory_space<vmem>>) target_semaphore(%arg11 : memref<!tpu.dma_semaphore, #tpu.memory_space<semaphore_mem>>)
    %dma_wait3A = arith.constant 0 : i32
    %dma_wait3A_317 = arith.constant 0 : i32
    %dma_wait3A_318 = arith.constant 0 : i32
    %dma_wait3A_319 = arith.constant 0 : i32
    %dma_wait3A_320 = tpu.memref_slice %arg3[%dma_wait3A, %dma_wait3A_317, %dma_wait3A_318, %dma_wait3A_319] : memref<25x128x8x128xi32, #tpu.memory_space<hbm>> -> memref<1x1x1x128xi32, #tpu.memory_space<hbm>>
    %dma_wait3A_321 = tpu.memref_squeeze %dma_wait3A_320 : memref<1x1x1x128xi32, #tpu.memory_space<hbm>> -> memref<128xi32, #tpu.memory_space<hbm>>
    %dma_wait3A_322 = arith.constant 0 : i32
    %dma_wait3A_323 = tpu.memref_slice %arg3[%dma_wait3A, %dma_wait3A_317, %dma_wait3A_318, %dma_wait3A_322] : memref<25x128x8x128xi32, #tpu.memory_space<hbm>> -> memref<1x1x1x128xi32, #tpu.memory_space<hbm>>
    %dma_wait3A_324 = tpu.memref_squeeze %dma_wait3A_323 : memref<1x1x1x128xi32, #tpu.memory_space<hbm>> -> memref<128xi32, #tpu.memory_space<hbm>>
    tpu.wait_dma2 semaphore(%arg11 : memref<!tpu.dma_semaphore, #tpu.memory_space<semaphore_mem>>) src(%dma_wait3A_324 : memref<128xi32, #tpu.memory_space<hbm>>) dst(%arg5 : memref<128xi32, #tpu.memory_space<vmem>>)
    %dma_start3A_325 = arith.constant 0 : i32
    %dma_start3A_326 = arith.constant 0 : i32
    %dma_start3A_327 = tpu.memref_slice %arg2[%dma_start3A_325, %dma_start3A_326] : memref<1000000x64xf32, #tpu.memory_space<hbm>> -> memref<1000000x64xf32, #tpu.memory_space<hbm>>
    tpu.enqueue_indirect_dma source(%dma_start3A_327 : memref<1000000x64xf32, #tpu.memory_space<hbm>>) target(%arg7 : memref<128x64xf32, #tpu.memory_space<vmem>>) offsets(%arg5 : memref<128xi32, #tpu.memory_space<vmem>>) semaphore(%arg13 : memref<!tpu.dma_semaphore, #tpu.memory_space<semaphore_mem>>)
    %min3A_328 = arith.constant 1 : i32
    %min3A_329 = arith.constant 799 : i32
    %min3A_330 = arith.minsi %min3A_328, %min3A_329 : i32
    %add3A_331 = arith.addi %mul3A_2, %min3A_330 : i32
    %jit3A_332 = arith.constant 128 : i32
    %div3A_333 = arith.divsi %add3A_331, %jit3A_332 : i32
    %sign3A_334 = arith.constant 0 : i32
    %sign3A_335 = arith.cmpi sgt, %add3A_331, %sign3A_334 : i32
    %sign3A_336 = arith.extui %sign3A_335 : i1 to i32
    %sign3A_337 = arith.constant 0 : i32
    %sign3A_338 = arith.cmpi slt, %add3A_331, %sign3A_337 : i32
    %sign3A_339 = arith.extui %sign3A_338 : i1 to i32
    %sign3A_340 = arith.subi %sign3A_336, %sign3A_339 : i32
    %sign3A_341 = arith.constant 0 : i32
    %sign3A_342 = arith.cmpi sgt, %jit3A_332, %sign3A_341 : i32
    %sign3A_343 = arith.extui %sign3A_342 : i1 to i32
    %sign3A_344 = arith.constant 0 : i32
    %sign3A_345 = arith.cmpi slt, %jit3A_332, %sign3A_344 : i32
    %sign3A_346 = arith.extui %sign3A_345 : i1 to i32
    %sign3A_347 = arith.subi %sign3A_343, %sign3A_346 : i32
    %ne3A_348 = arith.cmpi ne, %sign3A_340, %sign3A_347 : i32
    %rem3A_349 = arith.remsi %add3A_331, %jit3A_332 : i32
    %ne3A_350 = arith.constant 0 : i32
    %ne3A_351 = arith.cmpi ne, %rem3A_349, %ne3A_350 : i32
    %and3A_352 = arith.andi %ne3A_348, %ne3A_351 : i1
    %sub3A_353 = arith.constant 1 : i32
    %sub3A_354 = arith.subi %div3A_333, %sub3A_353 : i32
    %select_n3A_355 = arith.select %and3A_352, %sub3A_354, %div3A_333 : i32
    %jit3A_356 = arith.constant 128 : i32
    %eq3A_357 = arith.constant 0 : i32
    %eq3A_358 = arith.cmpi eq, %jit3A_356, %eq3A_357 : i32
    %jit3A_359 = arith.constant 1 : i32
    %select_n3A_360 = arith.select %eq3A_358, %jit3A_359, %jit3A_356 : i32
    %rem3A_361 = arith.remsi %add3A_331, %select_n3A_360 : i32
    %ne3A_362 = arith.constant 0 : i32
    %ne3A_363 = arith.cmpi ne, %rem3A_361, %ne3A_362 : i32
    %lt3A_364 = arith.constant 0 : i32
    %lt3A_365 = arith.cmpi slt, %rem3A_361, %lt3A_364 : i32
    %lt3A_366 = arith.constant 0 : i32
    %lt3A_367 = arith.cmpi slt, %select_n3A_360, %lt3A_366 : i32
    %ne3A_368 = arith.xori %lt3A_365, %lt3A_367 : i1
    %and3A_369 = arith.andi %ne3A_368, %ne3A_363 : i1
    %add3A_370 = arith.addi %rem3A_361, %select_n3A_360 : i32
    %select_n3A_371 = arith.select %and3A_369, %add3A_370, %rem3A_361 : i32
    %jit3A_372 = arith.constant 8 : i32
    %div3A_373 = arith.divsi %select_n3A_355, %jit3A_372 : i32
    %sign3A_374 = arith.constant 0 : i32
    %sign3A_375 = arith.cmpi sgt, %select_n3A_355, %sign3A_374 : i32
    %sign3A_376 = arith.extui %sign3A_375 : i1 to i32
    %sign3A_377 = arith.constant 0 : i32
    %sign3A_378 = arith.cmpi slt, %select_n3A_355, %sign3A_377 : i32
    %sign3A_379 = arith.extui %sign3A_378 : i1 to i32
    %sign3A_380 = arith.subi %sign3A_376, %sign3A_379 : i32
    %sign3A_381 = arith.constant 0 : i32
    %sign3A_382 = arith.cmpi sgt, %jit3A_372, %sign3A_381 : i32
    %sign3A_383 = arith.extui %sign3A_382 : i1 to i32
    %sign3A_384 = arith.constant 0 : i32
    %sign3A_385 = arith.cmpi slt, %jit3A_372, %sign3A_384 : i32
    %sign3A_386 = arith.extui %sign3A_385 : i1 to i32
    %sign3A_387 = arith.subi %sign3A_383, %sign3A_386 : i32
    %ne3A_388 = arith.cmpi ne, %sign3A_380, %sign3A_387 : i32
    %rem3A_389 = arith.remsi %select_n3A_355, %jit3A_372 : i32
    %ne3A_390 = arith.constant 0 : i32
    %ne3A_391 = arith.cmpi ne, %rem3A_389, %ne3A_390 : i32
    %and3A_392 = arith.andi %ne3A_388, %ne3A_391 : i1
    %sub3A_393 = arith.constant 1 : i32
    %sub3A_394 = arith.subi %div3A_373, %sub3A_393 : i32
    %select_n3A_395 = arith.select %and3A_392, %sub3A_394, %div3A_373 : i32
    %jit3A_396 = arith.constant 8 : i32
    %eq3A_397 = arith.constant 0 : i32
    %eq3A_398 = arith.cmpi eq, %jit3A_396, %eq3A_397 : i32
    %jit3A_399 = arith.constant 1 : i32
    %select_n3A_400 = arith.select %eq3A_398, %jit3A_399, %jit3A_396 : i32
    %rem3A_401 = arith.remsi %select_n3A_355, %select_n3A_400 : i32
    %ne3A_402 = arith.constant 0 : i32
    %ne3A_403 = arith.cmpi ne, %rem3A_401, %ne3A_402 : i32
    %lt3A_404 = arith.constant 0 : i32
    %lt3A_405 = arith.cmpi slt, %rem3A_401, %lt3A_404 : i32
    %lt3A_406 = arith.constant 0 : i32
    %lt3A_407 = arith.cmpi slt, %select_n3A_400, %lt3A_406 : i32
    %ne3A_408 = arith.xori %lt3A_405, %lt3A_407 : i1
    %and3A_409 = arith.andi %ne3A_408, %ne3A_403 : i1
    %add3A_410 = arith.addi %rem3A_401, %select_n3A_400 : i32
    %select_n3A_411 = arith.select %and3A_409, %add3A_410, %rem3A_401 : i32
    %dma_start3A_412 = arith.constant 0 : i32
    %dma_start3A_413 = tpu.memref_slice %arg3[%select_n3A_395, %select_n3A_371, %select_n3A_411, %dma_start3A_412] : memref<25x128x8x128xi32, #tpu.memory_space<hbm>> -> memref<1x1x1x128xi32, #tpu.memory_space<hbm>>
    %dma_start3A_414 = tpu.memref_squeeze %dma_start3A_413 : memref<1x1x1x128xi32, #tpu.memory_space<hbm>> -> memref<128xi32, #tpu.memory_space<hbm>>
    %dma_start3A_415 = arith.constant 0 : i32
    %dma_start3A_416 = tpu.memref_slice %arg3[%select_n3A_395, %select_n3A_371, %select_n3A_411, %dma_start3A_415] : memref<25x128x8x128xi32, #tpu.memory_space<hbm>> -> memref<1x1x1x128xi32, #tpu.memory_space<hbm>>
    %dma_start3A_417 = tpu.memref_squeeze %dma_start3A_416 : memref<1x1x1x128xi32, #tpu.memory_space<hbm>> -> memref<128xi32, #tpu.memory_space<hbm>>
    tpu.enqueue_dma source(%dma_start3A_417 : memref<128xi32, #tpu.memory_space<hbm>>) target(%arg6 : memref<128xi32, #tpu.memory_space<vmem>>) target_semaphore(%arg12 : memref<!tpu.dma_semaphore, #tpu.memory_space<semaphore_mem>>)
    %scan3A = arith.constant 0 : i32
    %scan3A_418 = arith.constant 0 : i32
    %scan3A_419 = arith.constant 400 : i32
    %scan3A_420 = arith.addi %scan3A_418, %scan3A_419 : i32
    %scan3A_421 = arith.constant 1 : i32
    scf.for %scan3A_475 = %scan3A_418 to %scan3A_420 step %scan3A_421  : i32 {
      %mul3A_476 = arith.constant 2 : i32
      %mul3A_477 = arith.muli %mul3A_476, %scan3A_475 : i32
      %dma_wait3A_478 = arith.constant 0 : i32
      %dma_wait3A_479 = arith.constant 0 : i32
      %dma_wait3A_480 = tpu.memref_slice %arg2[%dma_wait3A_478, %dma_wait3A_479] : memref<1000000x64xf32, #tpu.memory_space<hbm>> -> memref<1000000x64xf32, #tpu.memory_space<hbm>>
      tpu.wait_indirect_dma semaphore(%arg13 : memref<!tpu.dma_semaphore, #tpu.memory_space<semaphore_mem>>) src(%dma_wait3A_480 : memref<1000000x64xf32, #tpu.memory_space<hbm>>) dst(%arg7 : memref<128x64xf32, #tpu.memory_space<vmem>>)
      %dma_wait3A_481 = arith.constant 0 : i32
      %dma_wait3A_482 = arith.constant 0 : i32
      %dma_wait3A_483 = arith.constant 0 : i32
      %dma_wait3A_484 = arith.constant 0 : i32
      %dma_wait3A_485 = tpu.memref_slice %arg3[%dma_wait3A_481, %dma_wait3A_482, %dma_wait3A_483, %dma_wait3A_484] : memref<25x128x8x128xi32, #tpu.memory_space<hbm>> -> memref<1x1x1x128xi32, #tpu.memory_space<hbm>>
      %dma_wait3A_486 = tpu.memref_squeeze %dma_wait3A_485 : memref<1x1x1x128xi32, #tpu.memory_space<hbm>> -> memref<128xi32, #tpu.memory_space<hbm>>
      %dma_wait3A_487 = arith.constant 0 : i32
      %dma_wait3A_488 = tpu.memref_slice %arg3[%dma_wait3A_481, %dma_wait3A_482, %dma_wait3A_483, %dma_wait3A_487] : memref<25x128x8x128xi32, #tpu.memory_space<hbm>> -> memref<1x1x1x128xi32, #tpu.memory_space<hbm>>
      %dma_wait3A_489 = tpu.memref_squeeze %dma_wait3A_488 : memref<1x1x1x128xi32, #tpu.memory_space<hbm>> -> memref<128xi32, #tpu.memory_space<hbm>>
      tpu.wait_dma2 semaphore(%arg12 : memref<!tpu.dma_semaphore, #tpu.memory_space<semaphore_mem>>) src(%dma_wait3A_489 : memref<128xi32, #tpu.memory_space<hbm>>) dst(%arg6 : memref<128xi32, #tpu.memory_space<vmem>>)
      %dma_start3A_490 = arith.constant 0 : i32
      %dma_start3A_491 = arith.constant 0 : i32
      %dma_start3A_492 = tpu.memref_slice %arg2[%dma_start3A_490, %dma_start3A_491] : memref<1000000x64xf32, #tpu.memory_space<hbm>> -> memref<1000000x64xf32, #tpu.memory_space<hbm>>
      tpu.enqueue_indirect_dma source(%dma_start3A_492 : memref<1000000x64xf32, #tpu.memory_space<hbm>>) target(%arg8 : memref<128x64xf32, #tpu.memory_space<vmem>>) offsets(%arg6 : memref<128xi32, #tpu.memory_space<vmem>>) semaphore(%arg14 : memref<!tpu.dma_semaphore, #tpu.memory_space<semaphore_mem>>)
      %ge3A = arith.constant 2 : i32
      %ge3A_493 = arith.cmpi sge, %mul3A_477, %ge3A : i32
      %convert_element_type3A = arith.extui %ge3A_493 : i1 to i32
      %cond3A = arith.constant 0 : i32
      %cond3A_494 = arith.cmpi ne, %convert_element_type3A, %cond3A : i32
      scf.if %cond3A_494 {
        %dma_wait3A_828 = arith.constant 0 : i32
        %dma_wait3A_829 = arith.constant 0 : i32
        %dma_wait3A_830 = arith.constant 0 : i32
        %dma_wait3A_831 = arith.constant 0 : i32
        %dma_wait3A_832 = arith.constant 0 : i32
        %dma_wait3A_833 = tpu.memref_slice %arg9[%dma_wait3A_830, %dma_wait3A_831, %dma_wait3A_832] : memref<8x8x129xf32, #tpu.memory_space<vmem>> -> memref<8x8x128xf32, #tpu.memory_space<vmem>>
        %dma_wait3A_834 = arith.constant 0 : i32
        %dma_wait3A_835 = arith.constant 0 : i32
        %dma_wait3A_836 = arith.constant 0 : i32
        %dma_wait3A_837 = tpu.memref_slice %arg4[%dma_wait3A_828, %dma_wait3A_834, %dma_wait3A_829, %dma_wait3A_835, %dma_wait3A_836] : memref<200x8x128x8x128xf32, #tpu.memory_space<hbm>> -> memref<1x8x1x8x128xf32, #tpu.memory_space<hbm>>
        %dma_wait3A_838 = tpu.memref_squeeze %dma_wait3A_837 : memref<1x8x1x8x128xf32, #tpu.memory_space<hbm>> -> memref<8x8x128xf32, #tpu.memory_space<hbm>>
        %dma_wait3A_839 = arith.constant 0 : i32
        %dma_wait3A_840 = arith.constant 0 : i32
        %dma_wait3A_841 = arith.constant 0 : i32
        %dma_wait3A_842 = tpu.memref_slice %arg4[%dma_wait3A_828, %dma_wait3A_839, %dma_wait3A_829, %dma_wait3A_840, %dma_wait3A_841] : memref<200x8x128x8x128xf32, #tpu.memory_space<hbm>> -> memref<1x8x1x8x128xf32, #tpu.memory_space<hbm>>
        %dma_wait3A_843 = tpu.memref_squeeze %dma_wait3A_842 : memref<1x8x1x8x128xf32, #tpu.memory_space<hbm>> -> memref<8x8x128xf32, #tpu.memory_space<hbm>>
        %dma_wait3A_844 = arith.constant 0 : i32
        %dma_wait3A_845 = arith.constant 0 : i32
        %dma_wait3A_846 = arith.constant 0 : i32
        %dma_wait3A_847 = tpu.memref_slice %arg9[%dma_wait3A_844, %dma_wait3A_845, %dma_wait3A_846] : memref<8x8x129xf32, #tpu.memory_space<vmem>> -> memref<8x8x128xf32, #tpu.memory_space<vmem>>
        tpu.wait_dma2 semaphore(%arg15 : memref<!tpu.dma_semaphore, #tpu.memory_space<semaphore_mem>>) src(%dma_wait3A_847 : memref<8x8x128xf32, #tpu.memory_space<vmem>>) dst(%dma_wait3A_843 : memref<8x8x128xf32, #tpu.memory_space<hbm>>)
      } else {
      }
      %parallel_loop3A = arith.constant 0 : i32
      %parallel_loop3A_495 = arith.constant 128 : i32
      %parallel_loop3A_496 = arith.constant 1 : i32
      scf.for %parallel_loop3A_828 = %parallel_loop3A to %parallel_loop3A_495 step %parallel_loop3A_496  : i32 {
        %parallel_loop3A_829 = vector.broadcast %parallel_loop3A_828 : i32 to vector<16xi32>
        %parallel_loop3A_830 = arith.index_cast %parallel_loop3A_828 : i32 to index
        %parallel_loop3A_831 = arith.constant 0 : index
        %parallel_loop3A_832 = tpu.vector_load %arg7[%parallel_loop3A_830, %parallel_loop3A_831] {strides = array<i32>} : memref<128x64xf32, #tpu.memory_space<vmem>>, vector<16xf32>,
        tpu.vector_store_idx %arg9[%select_n3A, %select_n3A_153, %parallel_loop3A_829], %parallel_loop3A_832 : memref<8x8x129xf32, #tpu.memory_space<vmem>>[vector<16xi32>, vector<16xi32>, vector<16xi32>], vector<16xf32>,
        %parallel_loop3A_833 = arith.index_cast %parallel_loop3A_828 : i32 to index
        %parallel_loop3A_834 = arith.constant 16 : index
        %parallel_loop3A_835 = tpu.vector_load %arg7[%parallel_loop3A_833, %parallel_loop3A_834] {strides = array<i32>} : memref<128x64xf32, #tpu.memory_space<vmem>>, vector<16xf32>,
        tpu.vector_store_idx %arg9[%select_n3A_62, %select_n3A_178, %parallel_loop3A_829], %parallel_loop3A_835 : memref<8x8x129xf32, #tpu.memory_space<vmem>>[vector<16xi32>, vector<16xi32>, vector<16xi32>], vector<16xf32>,
        %parallel_loop3A_836 = arith.index_cast %parallel_loop3A_828 : i32 to index
        %parallel_loop3A_837 = arith.constant 32 : index
        %parallel_loop3A_838 = tpu.vector_load %arg7[%parallel_loop3A_836, %parallel_loop3A_837] {strides = array<i32>} : memref<128x64xf32, #tpu.memory_space<vmem>>, vector<16xf32>,
        tpu.vector_store_idx %arg9[%select_n3A_96, %select_n3A_203, %parallel_loop3A_829], %parallel_loop3A_838 : memref<8x8x129xf32, #tpu.memory_space<vmem>>[vector<16xi32>, vector<16xi32>, vector<16xi32>], vector<16xf32>,
        %parallel_loop3A_839 = arith.index_cast %parallel_loop3A_828 : i32 to index
        %parallel_loop3A_840 = arith.constant 48 : index
        %parallel_loop3A_841 = tpu.vector_load %arg7[%parallel_loop3A_839, %parallel_loop3A_840] {strides = array<i32>} : memref<128x64xf32, #tpu.memory_space<vmem>>, vector<16xf32>,
        tpu.vector_store_idx %arg9[%select_n3A_130, %select_n3A_228, %parallel_loop3A_829], %parallel_loop3A_841 : memref<8x8x129xf32, #tpu.memory_space<vmem>>[vector<16xi32>, vector<16xi32>, vector<16xi32>], vector<16xf32>,
      } {sc.loop_unroll_factor = 16 : i64, sc.parallel_access}
      %min3A_497 = arith.constant 799 : i32
      %min3A_498 = arith.minsi %mul3A_477, %min3A_497 : i32
      %add3A_499 = arith.addi %mul3A_2, %min3A_498 : i32
      %jit3A_500 = arith.constant 128 : i32
      %div3A_501 = arith.divsi %add3A_499, %jit3A_500 : i32
      %sign3A_502 = arith.constant 0 : i32
      %sign3A_503 = arith.cmpi sgt, %add3A_499, %sign3A_502 : i32
      %sign3A_504 = arith.extui %sign3A_503 : i1 to i32
      %sign3A_505 = arith.constant 0 : i32
      %sign3A_506 = arith.cmpi slt, %add3A_499, %sign3A_505 : i32
      %sign3A_507 = arith.extui %sign3A_506 : i1 to i32
      %sign3A_508 = arith.subi %sign3A_504, %sign3A_507 : i32
      %sign3A_509 = arith.constant 0 : i32
      %sign3A_510 = arith.cmpi sgt, %jit3A_500, %sign3A_509 : i32
      %sign3A_511 = arith.extui %sign3A_510 : i1 to i32
      %sign3A_512 = arith.constant 0 : i32
      %sign3A_513 = arith.cmpi slt, %jit3A_500, %sign3A_512 : i32
      %sign3A_514 = arith.extui %sign3A_513 : i1 to i32
      %sign3A_515 = arith.subi %sign3A_511, %sign3A_514 : i32
      %ne3A_516 = arith.cmpi ne, %sign3A_508, %sign3A_515 : i32
      %rem3A_517 = arith.remsi %add3A_499, %jit3A_500 : i32
      %ne3A_518 = arith.constant 0 : i32
      %ne3A_519 = arith.cmpi ne, %rem3A_517, %ne3A_518 : i32
      %and3A_520 = arith.andi %ne3A_516, %ne3A_519 : i1
      %sub3A_521 = arith.constant 1 : i32
      %sub3A_522 = arith.subi %div3A_501, %sub3A_521 : i32
      %select_n3A_523 = arith.select %and3A_520, %sub3A_522, %div3A_501 : i32
      %jit3A_524 = arith.constant 128 : i32
      %eq3A_525 = arith.constant 0 : i32
      %eq3A_526 = arith.cmpi eq, %jit3A_524, %eq3A_525 : i32
      %jit3A_527 = arith.constant 1 : i32
      %select_n3A_528 = arith.select %eq3A_526, %jit3A_527, %jit3A_524 : i32
      %rem3A_529 = arith.remsi %add3A_499, %select_n3A_528 : i32
      %ne3A_530 = arith.constant 0 : i32
      %ne3A_531 = arith.cmpi ne, %rem3A_529, %ne3A_530 : i32
      %lt3A_532 = arith.constant 0 : i32
      %lt3A_533 = arith.cmpi slt, %rem3A_529, %lt3A_532 : i32
      %lt3A_534 = arith.constant 0 : i32
      %lt3A_535 = arith.cmpi slt, %select_n3A_528, %lt3A_534 : i32
      %ne3A_536 = arith.xori %lt3A_533, %lt3A_535 : i1
      %and3A_537 = arith.andi %ne3A_536, %ne3A_531 : i1
      %add3A_538 = arith.addi %rem3A_529, %select_n3A_528 : i32
      %select_n3A_539 = arith.select %and3A_537, %add3A_538, %rem3A_529 : i32
      %dma_start3A_540 = arith.constant 0 : i32
      %dma_start3A_541 = arith.constant 0 : i32
      %dma_start3A_542 = arith.constant 0 : i32
      %dma_start3A_543 = tpu.memref_slice %arg9[%dma_start3A_540, %dma_start3A_541, %dma_start3A_542] : memref<8x8x129xf32, #tpu.memory_space<vmem>> -> memref<8x8x128xf32, #tpu.memory_space<vmem>>
      %dma_start3A_544 = arith.constant 0 : i32
      %dma_start3A_545 = arith.constant 0 : i32
      %dma_start3A_546 = arith.constant 0 : i32
      %dma_start3A_547 = tpu.memref_slice %arg4[%select_n3A_523, %dma_start3A_544, %select_n3A_539, %dma_start3A_545, %dma_start3A_546] : memref<200x8x128x8x128xf32, #tpu.memory_space<hbm>> -> memref<1x8x1x8x128xf32, #tpu.memory_space<hbm>>
      %dma_start3A_548 = tpu.memref_squeeze %dma_start3A_547 : memref<1x8x1x8x128xf32, #tpu.memory_space<hbm>> -> memref<8x8x128xf32, #tpu.memory_space<hbm>>
      %dma_start3A_549 = arith.constant 0 : i32
      %dma_start3A_550 = arith.constant 0 : i32
      %dma_start3A_551 = arith.constant 0 : i32
      %dma_start3A_552 = tpu.memref_slice %arg4[%select_n3A_523, %dma_start3A_549, %select_n3A_539, %dma_start3A_550, %dma_start3A_551] : memref<200x8x128x8x128xf32, #tpu.memory_space<hbm>> -> memref<1x8x1x8x128xf32, #tpu.memory_space<hbm>>
      %dma_start3A_553 = tpu.memref_squeeze %dma_start3A_552 : memref<1x8x1x8x128xf32, #tpu.memory_space<hbm>> -> memref<8x8x128xf32, #tpu.memory_space<hbm>>
      %dma_start3A_554 = arith.constant 0 : i32
      %dma_start3A_555 = arith.constant 0 : i32
      %dma_start3A_556 = arith.constant 0 : i32
      %dma_start3A_557 = tpu.memref_slice %arg9[%dma_start3A_554, %dma_start3A_555, %dma_start3A_556] : memref<8x8x129xf32, #tpu.memory_space<vmem>> -> memref<8x8x128xf32, #tpu.memory_space<vmem>>
      tpu.enqueue_dma source(%dma_start3A_557 : memref<8x8x128xf32, #tpu.memory_space<vmem>>) target(%dma_start3A_553 : memref<8x8x128xf32, #tpu.memory_space<hbm>>) target_semaphore(%arg15 : memref<!tpu.dma_semaphore, #tpu.memory_space<semaphore_mem>>)
      %add3A_558 = arith.constant 2 : i32
      %add3A_559 = arith.addi %mul3A_477, %add3A_558 : i32
      %min3A_560 = arith.constant 799 : i32
      %min3A_561 = arith.minsi %add3A_559, %min3A_560 : i32
      %add3A_562 = arith.addi %mul3A_2, %min3A_561 : i32
      %jit3A_563 = arith.constant 128 : i32
      %div3A_564 = arith.divsi %add3A_562, %jit3A_563 : i32
      %sign3A_565 = arith.constant 0 : i32
      %sign3A_566 = arith.cmpi sgt, %add3A_562, %sign3A_565 : i32
      %sign3A_567 = arith.extui %sign3A_566 : i1 to i32
      %sign3A_568 = arith.constant 0 : i32
      %sign3A_569 = arith.cmpi slt, %add3A_562, %sign3A_568 : i32
      %sign3A_570 = arith.extui %sign3A_569 : i1 to i32
      %sign3A_571 = arith.subi %sign3A_567, %sign3A_570 : i32
      %sign3A_572 = arith.constant 0 : i32
      %sign3A_573 = arith.cmpi sgt, %jit3A_563, %sign3A_572 : i32
      %sign3A_574 = arith.extui %sign3A_573 : i1 to i32
      %sign3A_575 = arith.constant 0 : i32
      %sign3A_576 = arith.cmpi slt, %jit3A_563, %sign3A_575 : i32
      %sign3A_577 = arith.extui %sign3A_576 : i1 to i32
      %sign3A_578 = arith.subi %sign3A_574, %sign3A_577 : i32
      %ne3A_579 = arith.cmpi ne, %sign3A_571, %sign3A_578 : i32
      %rem3A_580 = arith.remsi %add3A_562, %jit3A_563 : i32
      %ne3A_581 = arith.constant 0 : i32
      %ne3A_582 = arith.cmpi ne, %rem3A_580, %ne3A_581 : i32
      %and3A_583 = arith.andi %ne3A_579, %ne3A_582 : i1
      %sub3A_584 = arith.constant 1 : i32
      %sub3A_585 = arith.subi %div3A_564, %sub3A_584 : i32
      %select_n3A_586 = arith.select %and3A_583, %sub3A_585, %div3A_564 : i32
      %jit3A_587 = arith.constant 128 : i32
      %eq3A_588 = arith.constant 0 : i32
      %eq3A_589 = arith.cmpi eq, %jit3A_587, %eq3A_588 : i32
      %jit3A_590 = arith.constant 1 : i32
      %select_n3A_591 = arith.select %eq3A_589, %jit3A_590, %jit3A_587 : i32
      %rem3A_592 = arith.remsi %add3A_562, %select_n3A_591 : i32
      %ne3A_593 = arith.constant 0 : i32
      %ne3A_594 = arith.cmpi ne, %rem3A_592, %ne3A_593 : i32
      %lt3A_595 = arith.constant 0 : i32
      %lt3A_596 = arith.cmpi slt, %rem3A_592, %lt3A_595 : i32
      %lt3A_597 = arith.constant 0 : i32
      %lt3A_598 = arith.cmpi slt, %select_n3A_591, %lt3A_597 : i32
      %ne3A_599 = arith.xori %lt3A_596, %lt3A_598 : i1
      %and3A_600 = arith.andi %ne3A_599, %ne3A_594 : i1
      %add3A_601 = arith.addi %rem3A_592, %select_n3A_591 : i32
      %select_n3A_602 = arith.select %and3A_600, %add3A_601, %rem3A_592 : i32
      %jit3A_603 = arith.constant 8 : i32
      %div3A_604 = arith.divsi %select_n3A_586, %jit3A_603 : i32
      %sign3A_605 = arith.constant 0 : i32
      %sign3A_606 = arith.cmpi sgt, %select_n3A_586, %sign3A_605 : i32
      %sign3A_607 = arith.extui %sign3A_606 : i1 to i32
      %sign3A_608 = arith.constant 0 : i32
      %sign3A_609 = arith.cmpi slt, %select_n3A_586, %sign3A_608 : i32
      %sign3A_610 = arith.extui %sign3A_609 : i1 to i32
      %sign3A_611 = arith.subi %sign3A_607, %sign3A_610 : i32
      %sign3A_612 = arith.constant 0 : i32
      %sign3A_613 = arith.cmpi sgt, %jit3A_603, %sign3A_612 : i32
      %sign3A_614 = arith.extui %sign3A_613 : i1 to i32
      %sign3A_615 = arith.constant 0 : i32
      %sign3A_616 = arith.cmpi slt, %jit3A_603, %sign3A_615 : i32
      %sign3A_617 = arith.extui %sign3A_616 : i1 to i32
      %sign3A_618 = arith.subi %sign3A_614, %sign3A_617 : i32
      %ne3A_619 = arith.cmpi ne, %sign3A_611, %sign3A_618 : i32
      %rem3A_620 = arith.remsi %select_n3A_586, %jit3A_603 : i32
      %ne3A_621 = arith.constant 0 : i32
      %ne3A_622 = arith.cmpi ne, %rem3A_620, %ne3A_621 : i32
      %and3A_623 = arith.andi %ne3A_619, %ne3A_622 : i1
      %sub3A_624 = arith.constant 1 : i32
      %sub3A_625 = arith.subi %div3A_604, %sub3A_624 : i32
      %select_n3A_626 = arith.select %and3A_623, %sub3A_625, %div3A_604 : i32
      %jit3A_627 = arith.constant 8 : i32
      %eq3A_628 = arith.constant 0 : i32
      %eq3A_629 = arith.cmpi eq, %jit3A_627, %eq3A_628 : i32
      %jit3A_630 = arith.constant 1 : i32
      %select_n3A_631 = arith.select %eq3A_629, %jit3A_630, %jit3A_627 : i32
      %rem3A_632 = arith.remsi %select_n3A_586, %select_n3A_631 : i32
      %ne3A_633 = arith.constant 0 : i32
      %ne3A_634 = arith.cmpi ne, %rem3A_632, %ne3A_633 : i32
      %lt3A_635 = arith.constant 0 : i32
      %lt3A_636 = arith.cmpi slt, %rem3A_632, %lt3A_635 : i32
      %lt3A_637 = arith.constant 0 : i32
      %lt3A_638 = arith.cmpi slt, %select_n3A_631, %lt3A_637 : i32
      %ne3A_639 = arith.xori %lt3A_636, %lt3A_638 : i1
      %and3A_640 = arith.andi %ne3A_639, %ne3A_634 : i1
      %add3A_641 = arith.addi %rem3A_632, %select_n3A_631 : i32
      %select_n3A_642 = arith.select %and3A_640, %add3A_641, %rem3A_632 : i32
      %dma_start3A_643 = arith.constant 0 : i32
      %dma_start3A_644 = tpu.memref_slice %arg3[%select_n3A_626, %select_n3A_602, %select_n3A_642, %dma_start3A_643] : memref<25x128x8x128xi32, #tpu.memory_space<hbm>> -> memref<1x1x1x128xi32, #tpu.memory_space<hbm>>
      %dma_start3A_645 = tpu.memref_squeeze %dma_start3A_644 : memref<1x1x1x128xi32, #tpu.memory_space<hbm>> -> memref<128xi32, #tpu.memory_space<hbm>>
      %dma_start3A_646 = arith.constant 0 : i32
      %dma_start3A_647 = tpu.memref_slice %arg3[%select_n3A_626, %select_n3A_602, %select_n3A_642, %dma_start3A_646] : memref<25x128x8x128xi32, #tpu.memory_space<hbm>> -> memref<1x1x1x128xi32, #tpu.memory_space<hbm>>
      %dma_start3A_648 = tpu.memref_squeeze %dma_start3A_647 : memref<1x1x1x128xi32, #tpu.memory_space<hbm>> -> memref<128xi32, #tpu.memory_space<hbm>>
      tpu.enqueue_dma source(%dma_start3A_648 : memref<128xi32, #tpu.memory_space<hbm>>) target(%arg5 : memref<128xi32, #tpu.memory_space<vmem>>) target_semaphore(%arg11 : memref<!tpu.dma_semaphore, #tpu.memory_space<semaphore_mem>>)
      %mul3A_649 = arith.constant 2 : i32
      %mul3A_650 = arith.muli %mul3A_649, %scan3A_475 : i32
      %add3A_651 = arith.constant 1 : i32
      %add3A_652 = arith.addi %mul3A_650, %add3A_651 : i32
      %dma_wait3A_653 = arith.constant 0 : i32
      %dma_wait3A_654 = arith.constant 0 : i32
      %dma_wait3A_655 = tpu.memref_slice %arg2[%dma_wait3A_653, %dma_wait3A_654] : memref<1000000x64xf32, #tpu.memory_space<hbm>> -> memref<1000000x64xf32, #tpu.memory_space<hbm>>
      tpu.wait_indirect_dma semaphore(%arg14 : memref<!tpu.dma_semaphore, #tpu.memory_space<semaphore_mem>>) src(%dma_wait3A_655 : memref<1000000x64xf32, #tpu.memory_space<hbm>>) dst(%arg8 : memref<128x64xf32, #tpu.memory_space<vmem>>)
      %dma_wait3A_656 = arith.constant 0 : i32
      %dma_wait3A_657 = arith.constant 0 : i32
      %dma_wait3A_658 = arith.constant 0 : i32
      %dma_wait3A_659 = arith.constant 0 : i32
      %dma_wait3A_660 = tpu.memref_slice %arg3[%dma_wait3A_656, %dma_wait3A_657, %dma_wait3A_658, %dma_wait3A_659] : memref<25x128x8x128xi32, #tpu.memory_space<hbm>> -> memref<1x1x1x128xi32, #tpu.memory_space<hbm>>
      %dma_wait3A_661 = tpu.memref_squeeze %dma_wait3A_660 : memref<1x1x1x128xi32, #tpu.memory_space<hbm>> -> memref<128xi32, #tpu.memory_space<hbm>>
      %dma_wait3A_662 = arith.constant 0 : i32
      %dma_wait3A_663 = tpu.memref_slice %arg3[%dma_wait3A_656, %dma_wait3A_657, %dma_wait3A_658, %dma_wait3A_662] : memref<25x128x8x128xi32, #tpu.memory_space<hbm>> -> memref<1x1x1x128xi32, #tpu.memory_space<hbm>>
      %dma_wait3A_664 = tpu.memref_squeeze %dma_wait3A_663 : memref<1x1x1x128xi32, #tpu.memory_space<hbm>> -> memref<128xi32, #tpu.memory_space<hbm>>
      tpu.wait_dma2 semaphore(%arg11 : memref<!tpu.dma_semaphore, #tpu.memory_space<semaphore_mem>>) src(%dma_wait3A_664 : memref<128xi32, #tpu.memory_space<hbm>>) dst(%arg5 : memref<128xi32, #tpu.memory_space<vmem>>)
      %dma_start3A_665 = arith.constant 0 : i32
      %dma_start3A_666 = arith.constant 0 : i32
      %dma_start3A_667 = tpu.memref_slice %arg2[%dma_start3A_665, %dma_start3A_666] : memref<1000000x64xf32, #tpu.memory_space<hbm>> -> memref<1000000x64xf32, #tpu.memory_space<hbm>>
      tpu.enqueue_indirect_dma source(%dma_start3A_667 : memref<1000000x64xf32, #tpu.memory_space<hbm>>) target(%arg7 : memref<128x64xf32, #tpu.memory_space<vmem>>) offsets(%arg5 : memref<128xi32, #tpu.memory_space<vmem>>) semaphore(%arg13 : memref<!tpu.dma_semaphore, #tpu.memory_space<semaphore_mem>>)
      %ge3A_668 = arith.constant 2 : i32
      %ge3A_669 = arith.cmpi sge, %add3A_652, %ge3A_668 : i32
      %convert_element_type3A_670 = arith.extui %ge3A_669 : i1 to i32
      %cond3A_671 = arith.constant 0 : i32
      %cond3A_672 = arith.cmpi ne, %convert_element_type3A_670, %cond3A_671 : i32
      scf.if %cond3A_672 {
        %dma_wait3A_828 = arith.constant 0 : i32
        %dma_wait3A_829 = arith.constant 0 : i32
        %dma_wait3A_830 = arith.constant 0 : i32
        %dma_wait3A_831 = arith.constant 0 : i32
        %dma_wait3A_832 = arith.constant 0 : i32
        %dma_wait3A_833 = tpu.memref_slice %arg10[%dma_wait3A_830, %dma_wait3A_831, %dma_wait3A_832] : memref<8x8x129xf32, #tpu.memory_space<vmem>> -> memref<8x8x128xf32, #tpu.memory_space<vmem>>
        %dma_wait3A_834 = arith.constant 0 : i32
        %dma_wait3A_835 = arith.constant 0 : i32
        %dma_wait3A_836 = arith.constant 0 : i32
        %dma_wait3A_837 = tpu.memref_slice %arg4[%dma_wait3A_828, %dma_wait3A_834, %dma_wait3A_829, %dma_wait3A_835, %dma_wait3A_836] : memref<200x8x128x8x128xf32, #tpu.memory_space<hbm>> -> memref<1x8x1x8x128xf32, #tpu.memory_space<hbm>>
        %dma_wait3A_838 = tpu.memref_squeeze %dma_wait3A_837 : memref<1x8x1x8x128xf32, #tpu.memory_space<hbm>> -> memref<8x8x128xf32, #tpu.memory_space<hbm>>
        %dma_wait3A_839 = arith.constant 0 : i32
        %dma_wait3A_840 = arith.constant 0 : i32
        %dma_wait3A_841 = arith.constant 0 : i32
        %dma_wait3A_842 = tpu.memref_slice %arg4[%dma_wait3A_828, %dma_wait3A_839, %dma_wait3A_829, %dma_wait3A_840, %dma_wait3A_841] : memref<200x8x128x8x128xf32, #tpu.memory_space<hbm>> -> memref<1x8x1x8x128xf32, #tpu.memory_space<hbm>>
        %dma_wait3A_843 = tpu.memref_squeeze %dma_wait3A_842 : memref<1x8x1x8x128xf32, #tpu.memory_space<hbm>> -> memref<8x8x128xf32, #tpu.memory_space<hbm>>
        %dma_wait3A_844 = arith.constant 0 : i32
        %dma_wait3A_845 = arith.constant 0 : i32
        %dma_wait3A_846 = arith.constant 0 : i32
        %dma_wait3A_847 = tpu.memref_slice %arg10[%dma_wait3A_844, %dma_wait3A_845, %dma_wait3A_846] : memref<8x8x129xf32, #tpu.memory_space<vmem>> -> memref<8x8x128xf32, #tpu.memory_space<vmem>>
        tpu.wait_dma2 semaphore(%arg16 : memref<!tpu.dma_semaphore, #tpu.memory_space<semaphore_mem>>) src(%dma_wait3A_847 : memref<8x8x128xf32, #tpu.memory_space<vmem>>) dst(%dma_wait3A_843 : memref<8x8x128xf32, #tpu.memory_space<hbm>>)
      } else {
      }
      %parallel_loop3A_673 = arith.constant 0 : i32
      %parallel_loop3A_674 = arith.constant 128 : i32
      %parallel_loop3A_675 = arith.constant 1 : i32
      scf.for %parallel_loop3A_828 = %parallel_loop3A_673 to %parallel_loop3A_674 step %parallel_loop3A_675  : i32 {
        %parallel_loop3A_829 = vector.broadcast %parallel_loop3A_828 : i32 to vector<16xi32>
        %parallel_loop3A_830 = arith.index_cast %parallel_loop3A_828 : i32 to index
        %parallel_loop3A_831 = arith.constant 0 : index
        %parallel_loop3A_832 = tpu.vector_load %arg8[%parallel_loop3A_830, %parallel_loop3A_831] {strides = array<i32>} : memref<128x64xf32, #tpu.memory_space<vmem>>, vector<16xf32>,
        tpu.vector_store_idx %arg10[%select_n3A, %select_n3A_153, %parallel_loop3A_829], %parallel_loop3A_832 : memref<8x8x129xf32, #tpu.memory_space<vmem>>[vector<16xi32>, vector<16xi32>, vector<16xi32>], vector<16xf32>,
        %parallel_loop3A_833 = arith.index_cast %parallel_loop3A_828 : i32 to index
        %parallel_loop3A_834 = arith.constant 16 : index
        %parallel_loop3A_835 = tpu.vector_load %arg8[%parallel_loop3A_833, %parallel_loop3A_834] {strides = array<i32>} : memref<128x64xf32, #tpu.memory_space<vmem>>, vector<16xf32>,
        tpu.vector_store_idx %arg10[%select_n3A_62, %select_n3A_178, %parallel_loop3A_829], %parallel_loop3A_835 : memref<8x8x129xf32, #tpu.memory_space<vmem>>[vector<16xi32>, vector<16xi32>, vector<16xi32>], vector<16xf32>,
        %parallel_loop3A_836 = arith.index_cast %parallel_loop3A_828 : i32 to index
        %parallel_loop3A_837 = arith.constant 32 : index
        %parallel_loop3A_838 = tpu.vector_load %arg8[%parallel_loop3A_836, %parallel_loop3A_837] {strides = array<i32>} : memref<128x64xf32, #tpu.memory_space<vmem>>, vector<16xf32>,
        tpu.vector_store_idx %arg10[%select_n3A_96, %select_n3A_203, %parallel_loop3A_829], %parallel_loop3A_838 : memref<8x8x129xf32, #tpu.memory_space<vmem>>[vector<16xi32>, vector<16xi32>, vector<16xi32>], vector<16xf32>,
        %parallel_loop3A_839 = arith.index_cast %parallel_loop3A_828 : i32 to index
        %parallel_loop3A_840 = arith.constant 48 : index
        %parallel_loop3A_841 = tpu.vector_load %arg8[%parallel_loop3A_839, %parallel_loop3A_840] {strides = array<i32>} : memref<128x64xf32, #tpu.memory_space<vmem>>, vector<16xf32>,
        tpu.vector_store_idx %arg10[%select_n3A_130, %select_n3A_228, %parallel_loop3A_829], %parallel_loop3A_841 : memref<8x8x129xf32, #tpu.memory_space<vmem>>[vector<16xi32>, vector<16xi32>, vector<16xi32>], vector<16xf32>,
      } {sc.loop_unroll_factor = 16 : i64, sc.parallel_access}
      %min3A_676 = arith.constant 799 : i32
      %min3A_677 = arith.minsi %add3A_652, %min3A_676 : i32
      %add3A_678 = arith.addi %mul3A_2, %min3A_677 : i32
      %jit3A_679 = arith.constant 128 : i32
      %div3A_680 = arith.divsi %add3A_678, %jit3A_679 : i32
      %sign3A_681 = arith.constant 0 : i32
      %sign3A_682 = arith.cmpi sgt, %add3A_678, %sign3A_681 : i32
      %sign3A_683 = arith.extui %sign3A_682 : i1 to i32
      %sign3A_684 = arith.constant 0 : i32
      %sign3A_685 = arith.cmpi slt, %add3A_678, %sign3A_684 : i32
      %sign3A_686 = arith.extui %sign3A_685 : i1 to i32
      %sign3A_687 = arith.subi %sign3A_683, %sign3A_686 : i32
      %sign3A_688 = arith.constant 0 : i32
      %sign3A_689 = arith.cmpi sgt, %jit3A_679, %sign3A_688 : i32
      %sign3A_690 = arith.extui %sign3A_689 : i1 to i32
      %sign3A_691 = arith.constant 0 : i32
      %sign3A_692 = arith.cmpi slt, %jit3A_679, %sign3A_691 : i32
      %sign3A_693 = arith.extui %sign3A_692 : i1 to i32
      %sign3A_694 = arith.subi %sign3A_690, %sign3A_693 : i32
      %ne3A_695 = arith.cmpi ne, %sign3A_687, %sign3A_694 : i32
      %rem3A_696 = arith.remsi %add3A_678, %jit3A_679 : i32
      %ne3A_697 = arith.constant 0 : i32
      %ne3A_698 = arith.cmpi ne, %rem3A_696, %ne3A_697 : i32
      %and3A_699 = arith.andi %ne3A_695, %ne3A_698 : i1
      %sub3A_700 = arith.constant 1 : i32
      %sub3A_701 = arith.subi %div3A_680, %sub3A_700 : i32
      %select_n3A_702 = arith.select %and3A_699, %sub3A_701, %div3A_680 : i32
      %jit3A_703 = arith.constant 128 : i32
      %eq3A_704 = arith.constant 0 : i32
      %eq3A_705 = arith.cmpi eq, %jit3A_703, %eq3A_704 : i32
      %jit3A_706 = arith.constant 1 : i32
      %select_n3A_707 = arith.select %eq3A_705, %jit3A_706, %jit3A_703 : i32
      %rem3A_708 = arith.remsi %add3A_678, %select_n3A_707 : i32
      %ne3A_709 = arith.constant 0 : i32
      %ne3A_710 = arith.cmpi ne, %rem3A_708, %ne3A_709 : i32
      %lt3A_711 = arith.constant 0 : i32
      %lt3A_712 = arith.cmpi slt, %rem3A_708, %lt3A_711 : i32
      %lt3A_713 = arith.constant 0 : i32
      %lt3A_714 = arith.cmpi slt, %select_n3A_707, %lt3A_713 : i32
      %ne3A_715 = arith.xori %lt3A_712, %lt3A_714 : i1
      %and3A_716 = arith.andi %ne3A_715, %ne3A_710 : i1
      %add3A_717 = arith.addi %rem3A_708, %select_n3A_707 : i32
      %select_n3A_718 = arith.select %and3A_716, %add3A_717, %rem3A_708 : i32
      %dma_start3A_719 = arith.constant 0 : i32
      %dma_start3A_720 = arith.constant 0 : i32
      %dma_start3A_721 = arith.constant 0 : i32
      %dma_start3A_722 = tpu.memref_slice %arg10[%dma_start3A_719, %dma_start3A_720, %dma_start3A_721] : memref<8x8x129xf32, #tpu.memory_space<vmem>> -> memref<8x8x128xf32, #tpu.memory_space<vmem>>
      %dma_start3A_723 = arith.constant 0 : i32
      %dma_start3A_724 = arith.constant 0 : i32
      %dma_start3A_725 = arith.constant 0 : i32
      %dma_start3A_726 = tpu.memref_slice %arg4[%select_n3A_702, %dma_start3A_723, %select_n3A_718, %dma_start3A_724, %dma_start3A_725] : memref<200x8x128x8x128xf32, #tpu.memory_space<hbm>> -> memref<1x8x1x8x128xf32, #tpu.memory_space<hbm>>
      %dma_start3A_727 = tpu.memref_squeeze %dma_start3A_726 : memref<1x8x1x8x128xf32, #tpu.memory_space<hbm>> -> memref<8x8x128xf32, #tpu.memory_space<hbm>>
      %dma_start3A_728 = arith.constant 0 : i32
      %dma_start3A_729 = arith.constant 0 : i32
      %dma_start3A_730 = arith.constant 0 : i32
      %dma_start3A_731 = tpu.memref_slice %arg4[%select_n3A_702, %dma_start3A_728, %select_n3A_718, %dma_start3A_729, %dma_start3A_730] : memref<200x8x128x8x128xf32, #tpu.memory_space<hbm>> -> memref<1x8x1x8x128xf32, #tpu.memory_space<hbm>>
      %dma_start3A_732 = tpu.memref_squeeze %dma_start3A_731 : memref<1x8x1x8x128xf32, #tpu.memory_space<hbm>> -> memref<8x8x128xf32, #tpu.memory_space<hbm>>
      %dma_start3A_733 = arith.constant 0 : i32
      %dma_start3A_734 = arith.constant 0 : i32
      %dma_start3A_735 = arith.constant 0 : i32
      %dma_start3A_736 = tpu.memref_slice %arg10[%dma_start3A_733, %dma_start3A_734, %dma_start3A_735] : memref<8x8x129xf32, #tpu.memory_space<vmem>> -> memref<8x8x128xf32, #tpu.memory_space<vmem>>
      tpu.enqueue_dma source(%dma_start3A_736 : memref<8x8x128xf32, #tpu.memory_space<vmem>>) target(%dma_start3A_732 : memref<8x8x128xf32, #tpu.memory_space<hbm>>) target_semaphore(%arg16 : memref<!tpu.dma_semaphore, #tpu.memory_space<semaphore_mem>>)
      %add3A_737 = arith.constant 2 : i32
      %add3A_738 = arith.addi %add3A_652, %add3A_737 : i32
      %min3A_739 = arith.constant 799 : i32
      %min3A_740 = arith.minsi %add3A_738, %min3A_739 : i32
      %add3A_741 = arith.addi %mul3A_2, %min3A_740 : i32
      %jit3A_742 = arith.constant 128 : i32
      %div3A_743 = arith.divsi %add3A_741, %jit3A_742 : i32
      %sign3A_744 = arith.constant 0 : i32
      %sign3A_745 = arith.cmpi sgt, %add3A_741, %sign3A_744 : i32
      %sign3A_746 = arith.extui %sign3A_745 : i1 to i32
      %sign3A_747 = arith.constant 0 : i32
      %sign3A_748 = arith.cmpi slt, %add3A_741, %sign3A_747 : i32
      %sign3A_749 = arith.extui %sign3A_748 : i1 to i32
      %sign3A_750 = arith.subi %sign3A_746, %sign3A_749 : i32
      %sign3A_751 = arith.constant 0 : i32
      %sign3A_752 = arith.cmpi sgt, %jit3A_742, %sign3A_751 : i32
      %sign3A_753 = arith.extui %sign3A_752 : i1 to i32
      %sign3A_754 = arith.constant 0 : i32
      %sign3A_755 = arith.cmpi slt, %jit3A_742, %sign3A_754 : i32
      %sign3A_756 = arith.extui %sign3A_755 : i1 to i32
      %sign3A_757 = arith.subi %sign3A_753, %sign3A_756 : i32
      %ne3A_758 = arith.cmpi ne, %sign3A_750, %sign3A_757 : i32
      %rem3A_759 = arith.remsi %add3A_741, %jit3A_742 : i32
      %ne3A_760 = arith.constant 0 : i32
      %ne3A_761 = arith.cmpi ne, %rem3A_759, %ne3A_760 : i32
      %and3A_762 = arith.andi %ne3A_758, %ne3A_761 : i1
      %sub3A_763 = arith.constant 1 : i32
      %sub3A_764 = arith.subi %div3A_743, %sub3A_763 : i32
      %select_n3A_765 = arith.select %and3A_762, %sub3A_764, %div3A_743 : i32
      %jit3A_766 = arith.constant 128 : i32
      %eq3A_767 = arith.constant 0 : i32
      %eq3A_768 = arith.cmpi eq, %jit3A_766, %eq3A_767 : i32
      %jit3A_769 = arith.constant 1 : i32
      %select_n3A_770 = arith.select %eq3A_768, %jit3A_769, %jit3A_766 : i32
      %rem3A_771 = arith.remsi %add3A_741, %select_n3A_770 : i32
      %ne3A_772 = arith.constant 0 : i32
      %ne3A_773 = arith.cmpi ne, %rem3A_771, %ne3A_772 : i32
      %lt3A_774 = arith.constant 0 : i32
      %lt3A_775 = arith.cmpi slt, %rem3A_771, %lt3A_774 : i32
      %lt3A_776 = arith.constant 0 : i32
      %lt3A_777 = arith.cmpi slt, %select_n3A_770, %lt3A_776 : i32
      %ne3A_778 = arith.xori %lt3A_775, %lt3A_777 : i1
      %and3A_779 = arith.andi %ne3A_778, %ne3A_773 : i1
      %add3A_780 = arith.addi %rem3A_771, %select_n3A_770 : i32
      %select_n3A_781 = arith.select %and3A_779, %add3A_780, %rem3A_771 : i32
      %jit3A_782 = arith.constant 8 : i32
      %div3A_783 = arith.divsi %select_n3A_765, %jit3A_782 : i32
      %sign3A_784 = arith.constant 0 : i32
      %sign3A_785 = arith.cmpi sgt, %select_n3A_765, %sign3A_784 : i32
      %sign3A_786 = arith.extui %sign3A_785 : i1 to i32
      %sign3A_787 = arith.constant 0 : i32
      %sign3A_788 = arith.cmpi slt, %select_n3A_765, %sign3A_787 : i32
      %sign3A_789 = arith.extui %sign3A_788 : i1 to i32
      %sign3A_790 = arith.subi %sign3A_786, %sign3A_789 : i32
      %sign3A_791 = arith.constant 0 : i32
      %sign3A_792 = arith.cmpi sgt, %jit3A_782, %sign3A_791 : i32
      %sign3A_793 = arith.extui %sign3A_792 : i1 to i32
      %sign3A_794 = arith.constant 0 : i32
      %sign3A_795 = arith.cmpi slt, %jit3A_782, %sign3A_794 : i32
      %sign3A_796 = arith.extui %sign3A_795 : i1 to i32
      %sign3A_797 = arith.subi %sign3A_793, %sign3A_796 : i32
      %ne3A_798 = arith.cmpi ne, %sign3A_790, %sign3A_797 : i32
      %rem3A_799 = arith.remsi %select_n3A_765, %jit3A_782 : i32
      %ne3A_800 = arith.constant 0 : i32
      %ne3A_801 = arith.cmpi ne, %rem3A_799, %ne3A_800 : i32
      %and3A_802 = arith.andi %ne3A_798, %ne3A_801 : i1
      %sub3A_803 = arith.constant 1 : i32
      %sub3A_804 = arith.subi %div3A_783, %sub3A_803 : i32
      %select_n3A_805 = arith.select %and3A_802, %sub3A_804, %div3A_783 : i32
      %jit3A_806 = arith.constant 8 : i32
      %eq3A_807 = arith.constant 0 : i32
      %eq3A_808 = arith.cmpi eq, %jit3A_806, %eq3A_807 : i32
      %jit3A_809 = arith.constant 1 : i32
      %select_n3A_810 = arith.select %eq3A_808, %jit3A_809, %jit3A_806 : i32
      %rem3A_811 = arith.remsi %select_n3A_765, %select_n3A_810 : i32
      %ne3A_812 = arith.constant 0 : i32
      %ne3A_813 = arith.cmpi ne, %rem3A_811, %ne3A_812 : i32
      %lt3A_814 = arith.constant 0 : i32
      %lt3A_815 = arith.cmpi slt, %rem3A_811, %lt3A_814 : i32
      %lt3A_816 = arith.constant 0 : i32
      %lt3A_817 = arith.cmpi slt, %select_n3A_810, %lt3A_816 : i32
      %ne3A_818 = arith.xori %lt3A_815, %lt3A_817 : i1
      %and3A_819 = arith.andi %ne3A_818, %ne3A_813 : i1
      %add3A_820 = arith.addi %rem3A_811, %select_n3A_810 : i32
      %select_n3A_821 = arith.select %and3A_819, %add3A_820, %rem3A_811 : i32
      %dma_start3A_822 = arith.constant 0 : i32
      %dma_start3A_823 = tpu.memref_slice %arg3[%select_n3A_805, %select_n3A_781, %select_n3A_821, %dma_start3A_822] : memref<25x128x8x128xi32, #tpu.memory_space<hbm>> -> memref<1x1x1x128xi32, #tpu.memory_space<hbm>>
      %dma_start3A_824 = tpu.memref_squeeze %dma_start3A_823 : memref<1x1x1x128xi32, #tpu.memory_space<hbm>> -> memref<128xi32, #tpu.memory_space<hbm>>
      %dma_start3A_825 = arith.constant 0 : i32
      %dma_start3A_826 = tpu.memref_slice %arg3[%select_n3A_805, %select_n3A_781, %select_n3A_821, %dma_start3A_825] : memref<25x128x8x128xi32, #tpu.memory_space<hbm>> -> memref<1x1x1x128xi32, #tpu.memory_space<hbm>>
      %dma_start3A_827 = tpu.memref_squeeze %dma_start3A_826 : memref<1x1x1x128xi32, #tpu.memory_space<hbm>> -> memref<128xi32, #tpu.memory_space<hbm>>
      tpu.enqueue_dma source(%dma_start3A_827 : memref<128xi32, #tpu.memory_space<hbm>>) target(%arg6 : memref<128xi32, #tpu.memory_space<vmem>>) target_semaphore(%arg12 : memref<!tpu.dma_semaphore, #tpu.memory_space<semaphore_mem>>)
    }
    %scan3A_422 = arith.constant 400 : i32
    %dma_wait3A_423 = arith.constant 0 : i32
    %dma_wait3A_424 = arith.constant 0 : i32
    %dma_wait3A_425 = arith.constant 0 : i32
    %dma_wait3A_426 = arith.constant 0 : i32
    %dma_wait3A_427 = arith.constant 0 : i32
    %dma_wait3A_428 = tpu.memref_slice %arg9[%dma_wait3A_425, %dma_wait3A_426, %dma_wait3A_427] : memref<8x8x129xf32, #tpu.memory_space<vmem>> -> memref<8x8x128xf32, #tpu.memory_space<vmem>>
    %dma_wait3A_429 = arith.constant 0 : i32
    %dma_wait3A_430 = arith.constant 0 : i32
    %dma_wait3A_431 = arith.constant 0 : i32
    %dma_wait3A_432 = tpu.memref_slice %arg4[%dma_wait3A_423, %dma_wait3A_429, %dma_wait3A_424, %dma_wait3A_430, %dma_wait3A_431] : memref<200x8x128x8x128xf32, #tpu.memory_space<hbm>> -> memref<1x8x1x8x128xf32, #tpu.memory_space<hbm>>
    %dma_wait3A_433 = tpu.memref_squeeze %dma_wait3A_432 : memref<1x8x1x8x128xf32, #tpu.memory_space<hbm>> -> memref<8x8x128xf32, #tpu.memory_space<hbm>>
    %dma_wait3A_434 = arith.constant 0 : i32
    %dma_wait3A_435 = arith.constant 0 : i32
    %dma_wait3A_436 = arith.constant 0 : i32
    %dma_wait3A_437 = tpu.memref_slice %arg4[%dma_wait3A_423, %dma_wait3A_434, %dma_wait3A_424, %dma_wait3A_435, %dma_wait3A_436] : memref<200x8x128x8x128xf32, #tpu.memory_space<hbm>> -> memref<1x8x1x8x128xf32, #tpu.memory_space<hbm>>
    %dma_wait3A_438 = tpu.memref_squeeze %dma_wait3A_437 : memref<1x8x1x8x128xf32, #tpu.memory_space<hbm>> -> memref<8x8x128xf32, #tpu.memory_space<hbm>>
    %dma_wait3A_439 = arith.constant 0 : i32
    %dma_wait3A_440 = arith.constant 0 : i32
    %dma_wait3A_441 = arith.constant 0 : i32
    %dma_wait3A_442 = tpu.memref_slice %arg9[%dma_wait3A_439, %dma_wait3A_440, %dma_wait3A_441] : memref<8x8x129xf32, #tpu.memory_space<vmem>> -> memref<8x8x128xf32, #tpu.memory_space<vmem>>
    tpu.wait_dma2 semaphore(%arg15 : memref<!tpu.dma_semaphore, #tpu.memory_space<semaphore_mem>>) src(%dma_wait3A_442 : memref<8x8x128xf32, #tpu.memory_space<vmem>>) dst(%dma_wait3A_438 : memref<8x8x128xf32, #tpu.memory_space<hbm>>)
    %dma_wait3A_443 = arith.constant 0 : i32
    %dma_wait3A_444 = arith.constant 0 : i32
    %dma_wait3A_445 = arith.constant 0 : i32
    %dma_wait3A_446 = arith.constant 0 : i32
    %dma_wait3A_447 = arith.constant 0 : i32
    %dma_wait3A_448 = tpu.memref_slice %arg10[%dma_wait3A_445, %dma_wait3A_446, %dma_wait3A_447] : memref<8x8x129xf32, #tpu.memory_space<vmem>> -> memref<8x8x128xf32, #tpu.memory_space<vmem>>
    %dma_wait3A_449 = arith.constant 0 : i32
    %dma_wait3A_450 = arith.constant 0 : i32
    %dma_wait3A_451 = arith.constant 0 : i32
    %dma_wait3A_452 = tpu.memref_slice %arg4[%dma_wait3A_443, %dma_wait3A_449, %dma_wait3A_444, %dma_wait3A_450, %dma_wait3A_451] : memref<200x8x128x8x128xf32, #tpu.memory_space<hbm>> -> memref<1x8x1x8x128xf32, #tpu.memory_space<hbm>>
    %dma_wait3A_453 = tpu.memref_squeeze %dma_wait3A_452 : memref<1x8x1x8x128xf32, #tpu.memory_space<hbm>> -> memref<8x8x128xf32, #tpu.memory_space<hbm>>
    %dma_wait3A_454 = arith.constant 0 : i32
    %dma_wait3A_455 = arith.constant 0 : i32
    %dma_wait3A_456 = arith.constant 0 : i32
    %dma_wait3A_457 = tpu.memref_slice %arg4[%dma_wait3A_443, %dma_wait3A_454, %dma_wait3A_444, %dma_wait3A_455, %dma_wait3A_456] : memref<200x8x128x8x128xf32, #tpu.memory_space<hbm>> -> memref<1x8x1x8x128xf32, #tpu.memory_space<hbm>>
    %dma_wait3A_458 = tpu.memref_squeeze %dma_wait3A_457 : memref<1x8x1x8x128xf32, #tpu.memory_space<hbm>> -> memref<8x8x128xf32, #tpu.memory_space<hbm>>
    %dma_wait3A_459 = arith.constant 0 : i32
    %dma_wait3A_460 = arith.constant 0 : i32
    %dma_wait3A_461 = arith.constant 0 : i32
    %dma_wait3A_462 = tpu.memref_slice %arg10[%dma_wait3A_459, %dma_wait3A_460, %dma_wait3A_461] : memref<8x8x129xf32, #tpu.memory_space<vmem>> -> memref<8x8x128xf32, #tpu.memory_space<vmem>>
    tpu.wait_dma2 semaphore(%arg16 : memref<!tpu.dma_semaphore, #tpu.memory_space<semaphore_mem>>) src(%dma_wait3A_462 : memref<8x8x128xf32, #tpu.memory_space<vmem>>) dst(%dma_wait3A_458 : memref<8x8x128xf32, #tpu.memory_space<hbm>>)
    %dma_wait3A_463 = arith.constant 0 : i32
    %dma_wait3A_464 = arith.constant 0 : i32
    %dma_wait3A_465 = tpu.memref_slice %arg2[%dma_wait3A_463, %dma_wait3A_464] : memref<1000000x64xf32, #tpu.memory_space<hbm>> -> memref<1000000x64xf32, #tpu.memory_space<hbm>>
    tpu.wait_indirect_dma semaphore(%arg13 : memref<!tpu.dma_semaphore, #tpu.memory_space<semaphore_mem>>) src(%dma_wait3A_465 : memref<1000000x64xf32, #tpu.memory_space<hbm>>) dst(%arg7 : memref<128x64xf32, #tpu.memory_space<vmem>>)
    %dma_wait3A_466 = arith.constant 0 : i32
    %dma_wait3A_467 = arith.constant 0 : i32
    %dma_wait3A_468 = arith.constant 0 : i32
    %dma_wait3A_469 = arith.constant 0 : i32
    %dma_wait3A_470 = tpu.memref_slice %arg3[%dma_wait3A_466, %dma_wait3A_467, %dma_wait3A_468, %dma_wait3A_469] : memref<25x128x8x128xi32, #tpu.memory_space<hbm>> -> memref<1x1x1x128xi32, #tpu.memory_space<hbm>>
    %dma_wait3A_471 = tpu.memref_squeeze %dma_wait3A_470 : memref<1x1x1x128xi32, #tpu.memory_space<hbm>> -> memref<128xi32, #tpu.memory_space<hbm>>
    %dma_wait3A_472 = arith.constant 0 : i32
    %dma_wait3A_473 = tpu.memref_slice %arg3[%dma_wait3A_466, %dma_wait3A_467, %dma_wait3A_468, %dma_wait3A_472] : memref<25x128x8x128xi32, #tpu.memory_space<hbm>> -> memref<1x1x1x128xi32, #tpu.memory_space<hbm>>
    %dma_wait3A_474 = tpu.memref_squeeze %dma_wait3A_473 : memref<1x1x1x128xi32, #tpu.memory_space<hbm>> -> memref<128xi32, #tpu.memory_space<hbm>>
    tpu.wait_dma2 semaphore(%arg12 : memref<!tpu.dma_semaphore, #tpu.memory_space<semaphore_mem>>) src(%dma_wait3A_474 : memref<128xi32, #tpu.memory_space<hbm>>) dst(%arg6 : memref<128xi32, #tpu.memory_space<vmem>>)
    return
  }
}

module attributes {stable_mosaic.version = 14 : i64} {
  func.func @_fmt_body(%arg0: i32, %arg1: memref<64x8192xf32, #tpu.memory_space<vmem>>, %arg2: memref<4096x128xf32, #tpu.memory_space<vmem>>) attributes {dimension_semantics = [#tpu.dimension_semantics<arbitrary>], iteration_bounds = array<i64: 123>, scalar_prefetch = 0 : i64, scratch_operands = 0 : i64, tpu.core_type = #tpu.core_type<tc>, window_params = [{transform_indices = @transform_0, window_bounds = array<i64: 64, 8192>}, {transform_indices = @transform_1, window_bounds = array<i64: 4096, 128>}]} {
    %get3A = arith.constant 0 : index
    %get3A_0 = arith.constant 0 : index
    %get3A_1 = vector.load %arg1[%get3A, %get3A_0] : memref<64x8192xf32, #tpu.memory_space<vmem>>, vector<64x8192xf32>
    %transpose3A = tpu.transpose %get3A_1, [1, 0] : vector<64x8192xf32> -> vector<8192x64xf32>
    %mul3A = arith.constant 8.000000e+00 : f32
    %mul3A_2 = vector.broadcast %mul3A : f32 to vector<8192x64xf32>
    %mul3A_3 = arith.mulf %transpose3A, %mul3A_2 : vector<8192x64xf32>
    %reshape3A = vector.shape_cast %mul3A_3 : vector<8192x64xf32> to vector<4096x2x64xf32>
    %slice3A = vector.extract_strided_slice %reshape3A {offsets = [0, 0, 0], sizes = [4096, 1, 64], strides = [1, 1, 1]} : vector<4096x2x64xf32> to vector<4096x1x64xf32>
    %squeeze3A = vector.shape_cast %slice3A : vector<4096x1x64xf32> to vector<4096x64xf32>
    %swap3A = arith.constant 0 : index
    %swap3A_4 = arith.constant 0 : index
    %swap3A_5 = vector.load %arg2[%swap3A, %swap3A_4] : memref<4096x128xf32, #tpu.memory_space<vmem>>, vector<4096x64xf32>
    tpu.vector_store %arg2[%swap3A, %swap3A_4], %squeeze3A {strides = array<i32>} : memref<4096x128xf32, #tpu.memory_space<vmem>>, vector<4096x64xf32>,
    %slice3A_6 = vector.extract_strided_slice %reshape3A {offsets = [0, 1, 0], sizes = [4096, 1, 64], strides = [1, 1, 1]} : vector<4096x2x64xf32> to vector<4096x1x64xf32>
    %squeeze3A_7 = vector.shape_cast %slice3A_6 : vector<4096x1x64xf32> to vector<4096x64xf32>
    %swap3A_8 = arith.constant 0 : index
    %swap3A_9 = arith.constant 64 : index
    %swap3A_10 = vector.load %arg2[%swap3A_8, %swap3A_9] : memref<4096x128xf32, #tpu.memory_space<vmem>>, vector<4096x64xf32>
    tpu.vector_store %arg2[%swap3A_8, %swap3A_9], %squeeze3A_7 {strides = array<i32>} : memref<4096x128xf32, #tpu.memory_space<vmem>>, vector<4096x64xf32>,
    return
  }
  func.func @transform_0(%arg0: i32) -> (i32, i32) {
    %c0_i32 = arith.constant 0 : i32
    %c0_i32_0 = arith.constant 0 : i32
    return %c0_i32, %arg0 : i32, i32
  }
  func.func @transform_1(%arg0: i32) -> (i32, i32) {
    %c0_i32 = arith.constant 0 : i32
    %c0_i32_0 = arith.constant 0 : i32
    return %arg0, %c0_i32 : i32, i32
  }
}

</mosaic_0001>

<sc_bundles>
// kernel: kernel.4.cloned.1.call-start
scs
__scs_entry_jumppad:
0x0: {  	(pc) =	sbr.rel $0x88, $3  }
0x1: {  	(tag) =	ssettag $0x0;
	lr =	simm.s32 $0x1  }
0x2: {  	[smem:$0x3F9F] =	sst lr;
	_ =	strace $0xD0000000  }
0x3: {  	_ = 	snop  }
0x4: {  	_ = 	snop  }
0x5: {  	_ = 	snop  }
0x6: {  	_ = 	snop  }
0x7: {  	_ = 	snop  }
__scs_overlays_trampoline_lowered:
0x8: {  	[smem:$0x3FAE] =	sst s0  }
0x9: {  	[smem:$0x3FAF] =	sst s1  }
0xa: {  	[smem:$0x3FB0] =	sst s2  }
0xb: {  	[smem:$0x3FB1] =	sst s3  }
0xc: {  	[smem:$0x3FB2] =	sst s4  }
0xd: {  	[smem:$0x3FB3] =	sst s5  }
0xe: {  	[smem:$0x3FB4] =	sst s6  }
0xf: {  	[smem:$0x3FB5] =	sst s7  }
0x10: {  	[smem:$0x3FB6] =	sst s8  }
0x11: {  	[smem:$0x3FB7] =	sst s9;
	s0 =	simm.s32 @!p0 $0x0  }
0x12: {  	s1 =	sld [smem:$0x3F9D];
	s0 =	simm.s32 @p0 $0x1  }
0x13: {  	[smem:$0x3FB8] =	sst s0;
	s0 =	simm.s32 @!p1 $0x0  }
0x14: {  	s2 =	sld [smem:$0x3F9C];
	s0 =	simm.s32 @p1 $0x1  }
0x15: {  	[smem:$0x3FB9] =	sst s0;
	s0 =	simm.s32 @!p2 $0x0  }
0x16: {  	s3 =	sld [smem:$0x3FDB];
	s0 =	simm.s32 @p2 $0x1  }
0x17: {  	s4 =	simm.s32 $0x1BF5;
	[smem:$0x3FBB] =	sst s0  }
0x18: {  	s0 =	sld [smem:$0x3F9E];
	_ =	swait.ge [sflag:s4], $0x0  }
0x19: {  	s7 =	sld [smem:$0x3F9F]  }
0x1a: {  	s8 =	sadd.s32 $0xFFFFE003, lr  }
0x1b: {  	s9 =	sadd.s32 $0xFFFFFEF7, lr;
	s5 =	simm.s32 $0xFFFFFFFF;
	p2 =	slt.u32 s8, $0xFFFFF086  }
0x1c: {  	p1 =	slt.u32 s9, $0xF7A;
	s5 =	simm.s32 @!p2 $0x0  }
0x1d: {  	s5 =	simm.s32 @p1 $0x1;
	p0 =	seq.s32 s7, s2  }
0x1e: {  	s7 =	smul.u32 @!p0 $0xF7A, s2;
	p2 =	seq.s32 @!p0 s5, $0x0  }
0x1f: {  	s9 =	smul.u32 $0xF7A, s1;
	s8 =	simm.s32 @!p0 $0x1BF5;
	p2 =	por !p2, p0  }
0x20: {  	[sflag:s8] =	ssyncset.s32 @!p0 $0xFFFFF086;
	s6 =	sadd.s32 @!p0 s3, s7;
	s7 =	simm.s32 @!p0 $0x108  }
0x21: {  	s3 =	sadd.s32 s3, s9;
	s6 =	sadd.s32 @!p0 $0x88, s6;
	s7 =	simm.s32 @p2 $0x1082  }
0x22: {  	[simem:s7], [sflag:s8] =	dma.local @!p0 [hbm:s6], $0xF7A  }
0x23: {  	s9 =	sor.u32 $0xD0000000, s2;
	s6 =	simm.s32 $0x108;
	_ =	swait.ge @!p0 [sflag:s8], $0x0  }
0x24: {  	s3 =	sadd.s32 $0x88, s3;
	s6 =	simm.s32 @!p1 $0x1082;
	[sflag:s4] =	ssyncset.s32 $0xFFFFF086  }
0x25: {  	[simem:s6], [sflag:s4] =	dma.local [hbm:s3], $0xF7A  }
0x26: {  	[smem:$0x3F9F] =	sst s1;
	(tag) =	ssettag s2;
	_ =	strace s9  }
0x27: {  	s1 =	sld [smem:$0x3FAF]  }
0x28: {  	s2 =	sld [smem:$0x3FB0]  }
0x29: {  	s4 =	sld [smem:$0x3FB2]  }
0x2a: {  	p0 =	seq.s32 s5, $0x0;
	s5 =	sld [smem:$0x3FB3]  }
0x2b: {  	s6 =	sld [smem:$0x3FB4]  }
0x2c: {  	s7 =	sld [smem:$0x3FB5]  }
0x2d: {  	s3 =	simm.s32 $0x108;
	s8 =	sld [smem:$0x3FB6]  }
0x2e: {  	s3 =	simm.s32 @!p0 $0x1082;
	s9 =	sld [smem:$0x3FB7]  }
0x2f: {  	lr =	sadd.s32 s0, s3;
	s0 =	sld [smem:$0x3FAE]  }
0x30: {  	s3 =	sld [smem:$0x3FB1]  }
0x31: {  	[smem:$0x3FBA] =	sst s10  }
0x32: {  	s10 =	sld [smem:$0x3FB8];
	_ =	sdelay $0x3  }
0x33: {  	p0 =	seq.s32 s10, $0x1;
	s10 =	sld [smem:$0x3FBA];
	_ =	sdelay $0x3  }
0x34: {  	[smem:$0x3FBA] =	sst s10  }
0x35: {  	s10 =	sld [smem:$0x3FB9];
	_ =	sdelay $0x3  }
0x36: {  	p1 =	seq.s32 s10, $0x1;
	s10 =	sld [smem:$0x3FBA];
	_ =	sdelay $0x3  }
0x37: {  	[smem:$0x3FBA] =	sst s10  }
0x38: {  	s10 =	sld [smem:$0x3FBB]  }
0x39: {  	_ = 	snop;
	(pc) =	sbr.ind lr, $3  }
0x3a: {  	_ = 	snop  }
0x3b: {  	_ = 	snop  }
0x3c: {  	p2 =	seq.s32 s10, $0x1;
	s10 =	sld [smem:$0x3FBA]  }
0x3d: {  	_ =	shalt  }
0x3e: {  	_ =	shalt  }
0x3f: {  	_ =	shalt  }
0x40: {  	_ =	shalt  }
0x41: {  	_ =	shalt  }
0x42: {  	_ =	shalt  }
0x43: {  	_ =	shalt  }
0x44: {  	_ =	shalt  }
0x45: {  	_ =	shalt  }
0x46: {  	_ =	shalt  }
0x47: {  	_ =	shalt  }
0x48: {  	_ =	shalt  }
0x49: {  	_ =	shalt  }
0x4a: {  	_ =	shalt  }
0x4b: {  	_ =	shalt  }
0x4c: {  	_ =	shalt  }
0x4d: {  	_ =	shalt  }
0x4e: {  	_ =	shalt  }
0x4f: {  	_ =	shalt  }
0x50: {  	_ =	shalt  }
0x51: {  	_ =	shalt  }
0x52: {  	_ =	shalt  }
0x53: {  	_ =	shalt  }
0x54: {  	_ =	shalt  }
0x55: {  	_ =	shalt  }
0x56: {  	_ =	shalt  }
0x57: {  	_ =	shalt  }
0x58: {  	_ =	shalt  }
0x59: {  	_ =	shalt  }
0x5a: {  	_ =	shalt  }
0x5b: {  	_ =	shalt  }
0x5c: {  	_ =	shalt  }
0x5d: {  	_ =	shalt  }
0x5e: {  	_ =	shalt  }
0x5f: {  	_ =	shalt  }
0x60: {  	_ =	shalt  }
0x61: {  	_ =	shalt  }
0x62: {  	_ =	shalt  }
0x63: {  	_ =	shalt  }
0x64: {  	_ =	shalt  }
0x65: {  	_ =	shalt  }
0x66: {  	_ =	shalt  }
0x67: {  	_ =	shalt  }
0x68: {  	_ =	shalt  }
0x69: {  	_ =	shalt  }
0x6a: {  	_ =	shalt  }
0x6b: {  	_ =	shalt  }
0x6c: {  	_ =	shalt  }
0x6d: {  	_ =	shalt  }
0x6e: {  	_ =	shalt  }
0x6f: {  	_ =	shalt  }
0x70: {  	_ =	shalt  }
0x71: {  	_ =	shalt  }
0x72: {  	_ =	shalt  }
0x73: {  	_ =	shalt  }
0x74: {  	_ =	shalt  }
0x75: {  	_ =	shalt  }
0x76: {  	_ =	shalt  }
0x77: {  	_ =	shalt  }
0x78: {  	_ =	shalt  }
0x79: {  	_ =	shalt  }
0x7a: {  	_ =	shalt  }
0x7b: {  	_ =	shalt  }
0x7c: {  	_ =	shalt  }
0x7d: {  	_ =	shalt  }
0x7e: {  	_ =	shalt  }
0x7f: {  	_ =	shalt  }
0x80: {  	_ =	shalt  }
0x81: {  	_ =	shalt  }
0x82: {  	_ =	shalt  }
0x83: {  	_ =	shalt  }
0x84: {  	_ =	shalt  }
0x85: {  	_ =	shalt  }
0x86: {  	_ =	shalt  }
0x87: {  	_ =	shalt  }
.Lfunc_end0:
.L_simem_size_0:
called_computation_lowered:
.L_overlay_start_0:
0x88: {  	s2 =	sld [smem:$0x3FD9]  }
0x89: {  	s3 =	sld [smem:$0x3FFE];
	_ =	sdelay $0x1  }
0x8a: {  	s1 =	srdreg.scid  }
0x8b: {  	s0 =	sand.u32 $0x1, s1  }
0x8c: {  	s17 =	sshll.u32 s0, $0xA;
	s2 =	sadd.s32 s3, s2  }
0x8d: {  	s2 =	sadd.s32 s2, s17  }
0x8e: {  	[smem:$0x3FC6] =	sst s2  }
0x8f: {  	_ = 	snop  }
0x90: {  	s2 =	sld [smem:$0x3FC9]  }
0x91: {  	s18 =	sld [smem:$0x3FD0];
	(tm) =	ssettm $0x1  }
0x92: {  	s4 =	sld [smem:$0x3FFB];
	_ =	sdelay $0x3  }
0x93: {  	_ =	strace s4  }
0x94: {  	s4 =	sld [smem:$0x3FFC];
	_ =	sdelay $0x3  }
0x95: {  	_ =	strace s4  }
0x96: {  	s4 =	sld [smem:$0x3FFD];
	_ =	sdelay $0x3  }
0x97: {  	_ =	strace s4  }
0x98: {  	_ =	strace $0x8FFFFFFF  }
0x99: {  	s19 =	sld [smem:$0x3FDB];
	_ =	sdelay $0x1  }
0x9a: {  	s5 =	simm.s32 $_scs_section_size  }
0x9b: {  	s6 =	simm.s32 $_size__tile_overlayer_lowered;
	s7 =	simm.s32 $_tile_overlayer_lowered  }
0x9c: {  	s22 =	simm.s32 $0x1BFF;
	s21 =	sshll.u32 s7, $0x1;
	s4 =	sadd.s32 s5, s19  }
0x9d: {  	s8 =	simm.s32 $0x0;
	s20 =	sshll.u32 s6, $0x1;
	s6 =	sadd.s32 s21, s4  }
0x9e: {  	[timem:s8], [sflag:s22] =	dma.local [hbm:s6], s20  }
0x9f: {  	_ =	swait.ge [sflag:s22], s20  }
0xa0: {  	s5 =	ssub.s32 $0x0, s20;
	[sflag:s22] =	ssyncset.done $0x0  }
0xa1: {  	[sflag:s22] =	ssyncadd.s32 s5;
	_ =	sdelay $0x1  }
0xa2: {  	s23 =	simm.s32 $0x1B8B  }
0xa3: {  	_ =	swait.ge [sflag:s23], $0x1  }
0xa4: {  	[sflag:s23] =	ssyncset.done $0x0  }
0xa5: {  	s25 =	simm.s32 $0x1B8E;
	s24 =	sld [smem:$0x3FFE];
	[sflag:s23] =	ssyncadd.s32 $0xFFFFFFFF  }
0xa6: {  	s26 =	simm.s32 $execute0_lowered;
	[smem:$0x3FD2] =	sst s25  }
0xa7: {  	s6 =	sshll.u32 s26, $0x1;
	_ =	strace $0x80000046;
	[dreg:$0x1] =	wrdreg $0xFFFFFFFF  }
0xa8: {  	s28 =	simm.s32 $_size_execute0_lowered;
	s4 =	sadd.s32 s4, s6;
	[dreg:$0x0] =	wrdreg $0x0  }
0xa9: {  	s6 =	sshll.u32 s28, $0x1;
	[dreg:$0x2] =	wrdreg s4  }
0xaa: {  	[dreg:$0x3] =	wrdreg s6  }
0xab: {  	[dreg:$0x4] =	wrdreg $0xC0  }
0xac: {  	_ =	task [dreg:s8], $0x5FFFF  }
0xad: {  	[dreg:$0x1] =	wrdreg $0xFFFFFFFF  }
0xae: {  	[dreg:$0x0] =	wrdreg $0x60  }
0xaf: {  	[dreg:$0x2] =	wrdreg s24  }
0xb0: {  	[dreg:$0x3] =	wrdreg s2  }
0xb1: {  	[dreg:$0x4] =	wrdreg s18  }
0xb2: {  	[dreg:$0x5] =	wrdreg $0x9  }
0xb3: {  	_ =	task.clear_ibuf [dreg:s8], $0x6FFFF;
	_ =	strace $0x90000046  }
0xb4: {  	s29 =	simm.s32 $0x9;
	_ =	strace $0x80000048  }
0xb5: {  	_ =	swait.ge [sflag:s29], $0x1  }
0xb6: {  	[sflag:s29] =	ssyncadd.s32 $0xFFFFFFFF  }
0xb7: {  	_ =	strace $0x90000048  }
0xb8: {  	_ =	sfence  }
0xb9: {  	s30 =	sld [smem:$0x0];
	_ =	sdelay $0x2  }
0xba: {  	s31 =	sshll.u32 s1, $0xD;
	s1 =	sshrl.u32 s1, $0x2  }
0xbb: {  	s3 =	sand.u32 $0x4000, s31;
	s1 =	sadd.s32 s1, s30  }
0xbc: {  	s0 =	sor.u32 s3, s0;
	s1 =	sshll.u32 s1, $0x11  }
0xbd: {  	s0 =	sor.u32 s1, s0  }
0xbe: {  	s0 =	sadd.s32 $0x8F2B, s0  }
0xbf: {  	[sflag:s0] =	ssyncadd.remote.s32 $0x1  }
0xc0: {  	_ =	sfence.sel $0xFFFF  }
0xc1: {  	[dreg:$0x0] =	wrdreg $0xFFFFFFFF;
	(pc) =	sbr.abs _section_cstart, $3  }
0xc2: {  	[dreg:$0x1] =	wrdreg $0xFFFFFFFF  }
0xc3: {  	_ =	task.clear_ibuf [dreg:s8], $0x2FFFF;
	_ =	strace $0x9FFFFFFF  }
0xc4: {  	(tm) =	ssettm $0x7FFFFFFF  }
0xc5: {  	_ =	shalt  }
tec
execute0_lowered:
.L_overlay_start_1:
0x0: {  	(tag) =	ssettag $0x1  }
0x1: {  	s1 =	srdreg.scid;
	s0 =	stileid.u32  }
0x2: {  	s6 =	sand.u32 $0x1, s1;
	s28 =	sshll.u32 s0, $0x1  }
0x3: {  	s2 =	sor.u32 s6, s28  }
0x4: {  	v0 =	vlaneseq.u32;
	s3 =	smul.u32 $0x19000, s2  }
0x5: {  	s7 =	rddreg [dreg:$0x0];
	v12 =	vmul.u32 $0x88, v0;
	s4 =	sshll.u32 s2, $0xF  }
0x6: {  	s1 =	smul.u32 $0x320, s2;
	s5 =	sand.u32 $0x18000, s4;
	s3 =	sand.u32 $0x3E0000, s3  }
0x7: {  	s2 =	rddreg [dreg:$0x1];
	v0 =	vadd.s32 $0x1980, v12;
	s8 =	sor.u32 s5, s3;
	s5 =	simm.s32 $0x0  }
0x8: {  	[tilespmem:$0x1FE90] =	vst v0;
	v0 =	vadd.s32 $0x1984, v12;
	[smem:$0x7FF] =	sst s5  }
0x9: {  	v4 =	vadd.s32 $0x1985, v12;
	s4 =	rddreg [dreg:$0x2];
	_ =	strace $0x80000047;
	[tilespmem:$0x1FEA0] =	vst v0  }
0xa: {  	v6 =	vadd.s32 $0x1986, v12;
	[tilespmem:$0x1FEB0] =	vst v4  }
0xb: {  	v10 =	vadd.s32 $0x1987, v12;
	[tilespmem:$0x1FEC0] =	vst v6  }
0xc: {  	v7 =	vadd.s32 $0x887, v12;
	[tilespmem:$0x1FED0] =	vst v10  }
0xd: {  	v28 =	vor.u32 $0x6, v12;
	[tilespmem:$0x1FEF0] =	vst v7  }
0xe: {  	v8 =	vadd.s32 $0x1107, v12;
	[tilespmem:$0x1FF00] =	vst v28  }
0xf: {  	v30 =	vadd.s32 $0x886, v12;
	[tilespmem:$0x1FF10] =	vst v8  }
0x10: {  	v31 =	vadd.s32 $0x1106, v12;
	[tilespmem:$0x1FF20] =	vst v30  }
0x11: {  	v3 =	vor.u32 $0x5, v12;
	[tilespmem:$0x1FF30] =	vst v31  }
0x12: {  	v62 =	vor.u32 $0x4, v12;
	[tilespmem:$0x1FF40] =	vst v3  }
0x13: {  	v32 =	vadd.s32 $0x1104, v12;
	[tilespmem:$0x1FF60] =	vst v62  }
0x14: {  	v63 =	vadd.s32 $0x884, v12;
	[tilespmem:$0x1FF70] =	vst v32  }
0x15: {  	v24 =	vor.u32 $0x3, v12;
	[tilespmem:$0x1FF80] =	vst v63  }
0x16: {  	v25 =	vadd.s32 $0x883, v12;
	[tilespmem:$0x1FF90] =	vst v24  }
0x17: {  	s12 =	simm.s32 $0x1;
	s13 =	simm.s32 $0x80;
	s14 =	simm.s32 $0x100;
	v26 =	vadd.s32 $0x1103, v12;
	[tilespmem:$0x1FFA0] =	vst v25  }
0x18: {  	s15 =	simm.s32 $0x3;
	s16 =	simm.s32 $0x2;
	s17 =	simm.s32 $0x2100;
	v5 =	vor.u32 $0x2, v12;
	[tilespmem:$0x1FFB0] =	vst v26  }
0x19: {  	s18 =	simm.s32 $0x4100;
	s19 =	simm.s32 $0x4;
	s20 =	simm.s32 $0x6300;
	v22 =	vadd.s32 $0x1102, v12;
	[tilespmem:$0x1FFC0] =	vst v5  }
0x1a: {  	v1 =	vimm.s32 $0x0;
	vm0 =	vcmask $0x300;
	s21 =	simm.s32 $0x5;
	s22 =	simm.s32 $0x6;
	v27 =	vadd.s32 $0x1983, v12;
	s9 =	sand.u32 $0x380, s1;
	[tilespmem:$0x1FFD0] =	vst v22  }
0x1b: {  	s23 =	simm.s32 $0x0;
	v1 =	vsel vm0, $0x3, v1;
	s29 =	ssub.s32 $0x2, s6;
	v13 =	vadd.s32 $0x880, v12;
	v19 =	vadd.s32 $0x1981, v12;
	s8 =	sor.u32 s9, s8;
	[tilespmem:$0x1FFE0] =	vst v27  }
0x1c: {  	s7 =	sadd.s32 $0x400, s7;
	v14 =	vadd.s32 $0x1100, v12;
	v16 =	vor.u32 $0x1, v12;
	s31 =	sshrl.u32 s29, $0x1;
	s30 =	sshrl.u32 s8, $0x3;
	v6 =	vor.u32 $0x7, v12;
	[tilespmem:$0x1FFF0] =	vst v19  }
0x1d: {  	v17 =	vadd.s32 $0x881, v12;
	v18 =	vadd.s32 $0x1101, v12;
	s11 =	ssub.s32 s29, s31;
	s10 =	sor.u32 $0x3, s1;
	v0 =	vadd.s32 $0x885, v12;
	s6 =	sadd.s32 s2, s30;
	[tilespmem:$0x1FEE0] =	vst v6  }
0x1e: {  	v21 =	vadd.s32 $0x882, v12;
	v23 =	vadd.s32 $0x1982, v12;
	v29 =	vadd.s32 $0x1105, v12;
	s11 =	smax.u32 s11, $0x1;
	s9 =	sor.u32 $0x2, s1;
	[tilespmem:$0x1FF50] =	vst v0;
	s8 =	sadd.s32 $0x80, s6  }
.LBB2_1:
0x1f: {  	[tilespmem:s5], [sflag:$0x1] =	stream.linear.gather [hbm4b:s6+s5], $0x80, $0x38;
	[tilespmem:$0x8500] =	vst v63  }
0x20: {  	_ =	swait.ge [sflag:s12], $0x80  }
0x21: {  	[sflag:s12] =	ssyncset.done $0x0  }
0x22: {  	[sflag:s12] =	ssyncadd.s32 $0xFFFFFF80  }
0x23: {  	[tilespmem:s14], [sflag:$0x3] =	stream.indirect.gather [hbm4b:s7+s13], $0x40, s5, s13, $0xb8;
	[tilespmem:$0x8500] =	vst v63  }
0x24: {  	s24 =	simm.s32 $0x0  }
0x25: {  	[tilespmem:s13], [sflag:$0x2] =	stream.linear.gather [hbm4b:s8+s5], $0x80, $0x38;
	[tilespmem:$0x8500] =	vst v63  }
.LBB2_2:
0x26: {  	_ =	swait.ge [sflag:s15], $0x2000;
	s25 =	simm.s32 $0x0;
	s30 =	simm.s32 $0x1  }
0x27: {  	s31 =	simm.s32 $0x2;
	s26 =	simm.s32 $0x3;
	s28 =	simm.s32 $0x4;
	v33 =	vmov s25  }
0x28: {  	s0 =	simm.s32 $0x5;
	s3 =	simm.s32 $0x6;
	[sflag:s15] =	ssyncset.done $0x0;
	v34 =	vmov s30;
	v35 =	vmov s31;
	v36 =	vmov s26  }
0x29: {  	v37 =	vmov s28;
	s28 =	simm.s32 $0x7;
	v38 =	vmov s0;
	v39 =	vmov s3;
	s30 =	simm.s32 $0x8;
	s31 =	simm.s32 $0x9  }
0x2a: {  	s0 =	simm.s32 $0xB;
	s3 =	simm.s32 $0xC;
	[sflag:s15] =	ssyncadd.s32 $0xFFFFE000;
	v33 =	vshrl.u32 v33, $0x3;
	v40 =	vmov s28;
	v41 =	vmov s30  }
0x2b: {  	p0 =	seq.s32 s24, $0x0;
	s26 =	simm.s32 $0xE;
	v42 =	vmov s31;
	v44 =	vmov s0;
	v48 =	vmov s3;
	_ =	swait.ge [sflag:s16], $0x80  }
0x2c: {  	s25 =	simm.s32 @!p0 $0x5;
	v50 =	vmov s26;
	v34 =	vshrl.u32 v34, $0x3;
	v35 =	vshrl.u32 v35, $0x3;
	[sflag:s16] =	ssyncset.done $0x0  }
0x2d: {  	s28 =	simm.s32 $0xA;
	s30 =	simm.s32 $0xF;
	v36 =	vshrl.u32 v36, $0x3;
	v37 =	vshrl.u32 v37, $0x3;
	v38 =	vshrl.u32 v38, $0x3;
	[sflag:s16] =	ssyncadd.s32 $0xFFFFFF80  }
0x2e: {  	v51 =	vshrl.u32 v39, $0x3;
	v43 =	vmov s28;
	v45 =	vmov s30;
	[tilespmem:s17], [sflag:$0x4] =	stream.indirect.gather [hbm4b:s7+s13], $0x40, s13, s13, $0xb8;
	[tilespmem:$0x8500] =	vst v63  }
0x2f: {  	v33 =	vshll.u32 v33, v1;
	v52 =	vshrl.u32 v40, $0x3;
	v45 =	vshrl.u32 v45, $0x3;
	_ =	swait.ge @!p0 [sflag:s25], $0x2000  }
0x30: {  	v53 =	vshrl.u32 v41, $0x3;
	v54 =	vshrl.u32 v42, $0x3;
	v9 =	vshll.u32 v45, v1;
	[sflag:s25] =	ssyncset.done @!p0 $0x0  }
0x31: {  	s26 =	simm.s32 $0x300;
	v34 =	vshll.u32 v34, v1;
	v10 =	vshll.u32 v35, v1;
	v55 =	vbroadcast v9, $0x0;
	[sflag:s25] =	ssyncadd.s32 @!p0 $0xFFFFE000  }
0x32: {  	v11 =	vshll.u32 v36, v1;
	v61 =	vshll.u32 v37, v1;
	v46 =	vbroadcast v10, $0x0;
	v35 =	vld [tilespmem:s26+$0x1C0]  }
0x33: {  	v38 =	vshll.u32 v38, v1;
	v47 =	vbroadcast v34, $0x0;
	v41 =	vadd.s32 v6, v55;
	v42 =	vld [tilespmem:s26+$0xFFFFFE00]  }
0x34: {  	v4 =	vshll.u32 v51, v1;
	v33 =	vbroadcast v33, $0x0;
	v58 =	vadd.s32 v5, v46;
	v37 =	vld [tilespmem:s26+$0xFFFFFE80]  }
0x35: {  	v56 =	vshrl.u32 v43, $0x3;
	v45 =	vbroadcast v11, $0x0;
	v57 =	vadd.s32 v16, v47;
	v40 =	vld [tilespmem:s26+$0xFFFFFE40]  }
0x36: {  	v34 =	vshrl.u32 v44, $0x3;
	v11 =	vbroadcast v61, $0x0;
	v43 =	vadd.s32 v12, v33;
	v44 =	vld [tilespmem:s26+$0xFFFFFEC0]  }
0x37: {  	v48 =	vshrl.u32 v48, $0x3;
	v10 =	vbroadcast v4, $0x0;
	v59 =	vadd.s32 v24, v45;
	v60 =	vld [tilespmem:s26+$0xFFFFFF00]  }
0x38: {  	v15 =	vbroadcast v38, $0x0;
	v38 =	vshll.u32 v56, v1;
	v61 =	vadd.s32 v62, v11;
	v36 =	vld [tilespmem:s26+$0xFFFFFF40];
	[tilespmem:v41+s18+$0x0] =	vst.idx.msk $0xffff, v35  }
0x39: {  	v50 =	vshrl.u32 v50, $0x3;
	v9 =	vshll.u32 v52, v1;
	[tilespmem:v58+s18+$0x0] =	vst.idx.msk $0xffff, v37;
	v37 =	vld [tilespmem:s26+$0xFFFFFF80];
	v41 =	vadd.s32 v28, v10  }
0x3a: {  	v20 =	vbroadcast v9, $0x0;
	v52 =	vadd.s32 v7, v55;
	[tilespmem:v57+s18+$0x0] =	vst.idx.msk $0xffff, v40;
	v40 =	vshll.u32 v53, v1;
	v51 =	vld [tilespmem:s26+$0x1D0]  }
0x3b: {  	s28 =	simm.s32 $0xD;
	v56 =	vld [tilespmem:s26+$0x40];
	[tilespmem:v43+s18+$0x0] =	vst.idx.msk $0xffff, v42;
	v57 =	vadd.s32 v3, v15;
	v42 =	vshll.u32 v54, v1;
	v9 =	vbroadcast v40, $0x0  }
0x3c: {  	v49 =	vmov s28;
	[tilespmem:v59+s18+$0x0] =	vst.idx.msk $0xffff, v44;
	v43 =	vld [tilespmem:s26+$0xFFFFFFC0];
	v44 =	vadd.s32 v6, v20;
	v2 =	vbroadcast v42, $0x0  }
0x3d: {  	v34 =	vshll.u32 v34, v1;
	v39 =	vbroadcast v38, $0x0;
	[tilespmem:v61+s18+$0x0] =	vst.idx.msk $0xffff, v60;
	v59 =	vld [tilespmem:s26+$0x0];
	v60 =	vadd.s32 v12, v9  }
0x3e: {  	v49 =	vshrl.u32 v49, $0x3;
	v6 =	vshll.u32 v50, v1;
	v50 =	vld [tilespmem:s26+$0x100];
	v61 =	vadd.s32 v16, v2;
	[tilespmem:v41+s18+$0x0] =	vst.idx.msk $0xffff, v37  }
0x3f: {  	v34 =	vbroadcast v34, $0x0;
	v40 =	vshll.u32 v48, v1;
	v41 =	vadd.s32 v5, v39;
	[tilespmem:v52+s18+$0x0] =	vst.idx.msk $0xffff, v51;
	v52 =	vld [tilespmem:s26+$0x80]  }
0x40: {  	v42 =	vshll.u32 v49, v1;
	v35 =	vbroadcast v40, $0x0;
	[tilespmem:v57+s18+$0x0] =	vst.idx.msk $0xffff, v36;
	v51 =	vadd.s32 v8, v55;
	v48 =	vld [tilespmem:s26+$0x1E0]  }
0x41: {  	[tilespmem:v44+s18+$0x0] =	vst.idx.msk $0xffff, v43;
	v43 =	vld [tilespmem:s26+$0xC0];
	v44 =	vadd.s32 v24, v34;
	v36 =	vbroadcast v42, $0x0  }
0x42: {  	v5 =	vmov v39;
	v57 =	vadd.s32 v62, v35;
	v37 =	vbroadcast v6, $0x0;
	v39 =	vld [tilespmem:s26+$0x180];
	[tilespmem:v60+s18+$0x0] =	vst.idx.msk $0xffff, v59  }
0x43: {  	v38 =	vadd.s32 v3, v36;
	[tilespmem:v61+s18+$0x0] =	vst.idx.msk $0xffff, v56;
	v56 =	vld [tilespmem:s26+$0x140]  }
0x44: {  	v40 =	vadd.s32 v28, v37;
	v61 =	vld [tilespmem:s26+$0xFFFFFED0];
	[tilespmem:v41+s18+$0x0] =	vst.idx.msk $0xffff, v52  }
0x45: {  	v62 =	vadd.s32 v25, v45;
	v41 =	vld [tilespmem:s26+$0xFFFFFE50];
	[tilespmem:v51+s18+$0x0] =	vst.idx.msk $0xffff, v48  }
0x46: {  	v42 =	vadd.s32 v17, v47;
	v6 =	vld [tilespmem:$0x1FED0];
	[tilespmem:v44+s18+$0x0] =	vst.idx.msk $0xffff, v43  }
0x47: {  	v43 =	vld [tilespmem:s26+$0xFFFFFE90];
	v44 =	vadd.s32 v21, v46;
	[tilespmem:v57+s18+$0x0] =	vst.idx.msk $0xffff, v50  }
0x48: {  	v4 =	vld [tilespmem:s26+$0xFFFFFF10];
	[tilespmem:v38+s18+$0x0] =	vst.idx.msk $0xffff, v56;
	v38 =	vadd.s32 v63, v11  }
0x49: {  	[tilespmem:v40+s18+$0x0] =	vst.idx.msk $0xffff, v39;
	v39 =	vld [tilespmem:s26+$0xFFFFFF50];
	v40 =	vadd.s32 v0, v15  }
0x4a: {  	v60 =	vld [tilespmem:s26+$0x10];
	[tilespmem:v62+s18+$0x0] =	vst.idx.msk $0xffff, v61;
	v61 =	vadd.s32 v13, v9  }
0x4b: {  	[tilespmem:v42+s18+$0x0] =	vst.idx.msk $0xffff, v41;
	v41 =	vld [tilespmem:s26+$0xFFFFFF90];
	v42 =	vadd.s32 v30, v10  }
0x4c: {  	[tilespmem:v44+s18+$0x0] =	vst.idx.msk $0xffff, v43;
	v43 =	vld [tilespmem:s26+$0xFFFFFFD0];
	v44 =	vadd.s32 v7, v20  }
0x4d: {  	v48 =	vld [tilespmem:s26+$0x1F0];
	v51 =	vadd.s32 v6, v55;
	[tilespmem:v38+s18+$0x0] =	vst.idx.msk $0xffff, v4  }
0x4e: {  	v62 =	vld [tilespmem:s26+$0x50];
	v4 =	vadd.s32 v17, v2;
	[tilespmem:v40+s18+$0x0] =	vst.idx.msk $0xffff, v39  }
0x4f: {  	v38 =	vld [tilespmem:s26+$0x90];
	v39 =	vadd.s32 v21, v5;
	[tilespmem:v61+s18+$0x0] =	vst.idx.msk $0xffff, v60  }
0x50: {  	v40 =	vld [tilespmem:s26+$0xD0];
	[tilespmem:v42+s18+$0x0] =	vst.idx.msk $0xffff, v41;
	v41 =	vadd.s32 v25, v34  }
0x51: {  	v42 =	vld [tilespmem:s26+$0x110];
	[tilespmem:v44+s18+$0x0] =	vst.idx.msk $0xffff, v43;
	v43 =	vadd.s32 v63, v35  }
0x52: {  	v60 =	vadd.s32 v0, v36;
	[tilespmem:v51+s18+$0x0] =	vst.idx.msk $0xffff, v48;
	v44 =	vld [tilespmem:s26+$0x150]  }
0x53: {  	v61 =	vld [tilespmem:s26+$0x190];
	[tilespmem:v4+s18+$0x0] =	vst.idx.msk $0xffff, v62;
	v62 =	vadd.s32 v30, v37  }
0x54: {  	v63 =	vld [tilespmem:s26+$0xFFFFFE10];
	v4 =	vadd.s32 v13, v33;
	[tilespmem:v39+s18+$0x0] =	vst.idx.msk $0xffff, v38  }
0x55: {  	v38 =	vld [tilespmem:s26+$0xFFFFFE60];
	v39 =	vadd.s32 v18, v47;
	[tilespmem:v41+s18+$0x0] =	vst.idx.msk $0xffff, v40  }
0x56: {  	v40 =	vld [tilespmem:s26+$0xFFFFFEA0];
	v41 =	vadd.s32 v22, v46;
	[tilespmem:v43+s18+$0x0] =	vst.idx.msk $0xffff, v42  }
0x57: {  	v57 =	vadd.s32 v26, v34;
	v56 =	vld [tilespmem:s26+$0xE0];
	[tilespmem:v60+s18+$0x0] =	vst.idx.msk $0xffff, v44  }
0x58: {  	v42 =	vld [tilespmem:s26+$0xFFFFFEE0];
	v43 =	vadd.s32 v26, v45;
	[tilespmem:v62+s18+$0x0] =	vst.idx.msk $0xffff, v61  }
0x59: {  	v44 =	vld [tilespmem:s26+$0xFFFFFF20];
	v60 =	vadd.s32 v32, v11;
	[tilespmem:v4+s18+$0x0] =	vst.idx.msk $0xffff, v63  }
0x5a: {  	v61 =	vld [tilespmem:s26+$0xFFFFFF60];
	v62 =	vadd.s32 v29, v15;
	[tilespmem:v39+s18+$0x0] =	vst.idx.msk $0xffff, v38  }
0x5b: {  	v63 =	vld [tilespmem:s26+$0xFFFFFFA0];
	v4 =	vadd.s32 v31, v10;
	[tilespmem:v41+s18+$0x0] =	vst.idx.msk $0xffff, v40  }
0x5c: {  	v38 =	vld [tilespmem:s26+$0xFFFFFFE0];
	v39 =	vadd.s32 v8, v20;
	[tilespmem:v57+s18+$0x0] =	vst.idx.msk $0xffff, v56  }
0x5d: {  	v51 =	vadd.s32 v32, v35;
	v48 =	vld [tilespmem:s26+$0x120];
	[tilespmem:v43+s18+$0x0] =	vst.idx.msk $0xffff, v42  }
0x5e: {  	v40 =	vld [tilespmem:s26+$0x20];
	v41 =	vadd.s32 v14, v9;
	[tilespmem:v60+s18+$0x0] =	vst.idx.msk $0xffff, v44  }
0x5f: {  	v58 =	vadd.s32 v29, v36;
	v49 =	vld [tilespmem:s26+$0x160];
	[tilespmem:v62+s18+$0x0] =	vst.idx.msk $0xffff, v61  }
0x60: {  	v42 =	vld [tilespmem:s26+$0x60];
	v43 =	vadd.s32 v18, v2;
	[tilespmem:v4+s18+$0x0] =	vst.idx.msk $0xffff, v63  }
0x61: {  	v54 =	vld [tilespmem:s26+$0xA0];
	v44 =	vadd.s32 v22, v5;
	[tilespmem:v39+s18+$0x0] =	vst.idx.msk $0xffff, v38  }
0x62: {  	v26 =	vmov v8;
	v32 =	vadd.s32 v14, v33;
	v8 =	vld [tilespmem:s26+$0xFFFFFE20];
	[tilespmem:v51+s18+$0x0] =	vst.idx.msk $0xffff, v48  }
0x63: {  	v50 =	vld [tilespmem:s26+$0x1A0];
	[tilespmem:v41+s18+$0x0] =	vst.idx.msk $0xffff, v40;
	v41 =	vadd.s32 v31, v37  }
0x64: {  	[tilespmem:v58+s18+$0x0] =	vst.idx.msk $0xffff, v49  }
0x65: {  	v56 =	vld [tilespmem:s26+$0xFFFFFEB0];
	[tilespmem:v43+s18+$0x0] =	vst.idx.msk $0xffff, v42  }
0x66: {  	v47 =	vadd.s32 v19, v47;
	[tilespmem:v44+s18+$0x0] =	vst.idx.msk $0xffff, v54;
	v54 =	vld [tilespmem:s26+$0xFFFFFE70]  }
0x67: {  	v22 =	vmov v29;
	v42 =	vadd.s32 v23, v46;
	v29 =	vld [tilespmem:$0x1FEA0];
	[tilespmem:v32+s18+$0x0] =	vst.idx.msk $0xffff, v8  }
0x68: {  	v59 =	vld [tilespmem:s26+$0xFFFFFEF0];
	v40 =	vadd.s32 v27, v45;
	[tilespmem:v41+s18+$0x0] =	vst.idx.msk $0xffff, v50  }
0x69: {  	s31 =	simm.s32 $0x10;
	s3 =	simm.s32 $0x12;
	s28 =	simm.s32 $0x13;
	v32 =	vld [tilespmem:$0x1FEB0]  }
0x6a: {  	v55 =	vmov s3;
	v0 =	vmov s28;
	s28 =	simm.s32 $0x15;
	v4 =	vmov s31  }
0x6b: {  	s0 =	simm.s32 $0x11;
	v3 =	vmov s28;
	s28 =	simm.s32 $0x17;
	v55 =	vshrl.u32 v55, $0x3;
	v61 =	vshrl.u32 v4, $0x3;
	v4 =	vld [tilespmem:s26+$0xFFFFFF30];
	[tilespmem:v47+s18+$0x0] =	vst.idx.msk $0xffff, v54  }
0x6c: {  	v52 =	vmov s28;
	s28 =	simm.s32 $0x19;
	v62 =	vmov s0;
	s0 =	simm.s32 $0x18;
	v63 =	vadd.s32 v19, v2;
	v24 =	vld [tilespmem:$0x1FEC0];
	[tilespmem:v42+s18+$0x0] =	vst.idx.msk $0xffff, v56  }
0x6d: {  	s30 =	simm.s32 $0x14;
	v25 =	vmovc v7;
	s31 =	simm.s32 $0x16;
	v53 =	vmov s0;
	v45 =	vmov s28;
	v8 =	vld [tilespmem:s26+$0xFFFFFF70];
	v7 =	vadd.s32 v29, v11;
	[tilespmem:v40+s18+$0x0] =	vst.idx.msk $0xffff, v59  }
0x6e: {  	s3 =	simm.s32 $0x1A;
	v44 =	vmov s30;
	v43 =	vmov s31;
	s30 =	simm.s32 $0x1C;
	s31 =	simm.s32 $0x1E;
	v11 =	vadd.s32 v32, v15;
	v15 =	vld [tilespmem:$0x1FE90]  }
0x6f: {  	v57 =	vld [tilespmem:s26+$0xFFFFFFB0];
	s28 =	simm.s32 $0x1B;
	v46 =	vmov s3;
	v51 =	vmov s30;
	v49 =	vmov s31  }
0x70: {  	v58 =	vld [tilespmem:s26+$0xFFFFFFF0];
	v38 =	vshrl.u32 v44, $0x3;
	v39 =	vshrl.u32 v43, $0x3;
	v50 =	vmov s28;
	s28 =	simm.s32 $0x1D  }
0x71: {  	v43 =	vld [tilespmem:s26+$0xB0];
	v44 =	vadd.s32 v23, v5;
	v41 =	vshrl.u32 v3, $0x3;
	v48 =	vmov s28  }
0x72: {  	v54 =	vshll.u32 v61, v1;
	v61 =	vadd.s32 v6, v20;
	v56 =	vshrl.u32 v62, $0x3;
	v59 =	vld [tilespmem:s26+$0x30];
	[tilespmem:v7+s18+$0x0] =	vst.idx.msk $0xffff, v4  }
0x73: {  	s29 =	simm.s32 $0x1F;
	s25 =	sshll.u32 s24, $0x1;
	s28 =	simm.s32 $0x20;
	v40 =	vshrl.u32 v0, $0x3;
	v42 =	vld [tilespmem:s26+$0x70];
	v60 =	vadd.s32 v24, v10;
	v62 =	vadd.s32 v15, v9;
	[tilespmem:v11+s18+$0x0] =	vst.idx.msk $0xffff, v8  }
.LBB2_3:
0x74: {  	v4 =	vld [tilespmem:s26+$0xF0]  }
0x75: {  	v5 =	vld [tilespmem:s26+$0x130]  }
0x76: {  	v7 =	vld [tilespmem:s26+$0x170]  }
0x77: {  	v8 =	vld [tilespmem:s26+$0x1B0]  }
0x78: {  	v9 =	vshll.u32 v56, v1;
	v56 =	vld [tilespmem:s26+$0xFFFFFE30]  }
0x79: {  	v34 =	vadd.s32 v27, v34;
	v0 =	vld [tilespmem:$0x1FEE0]  }
0x7a: {  	v35 =	vadd.s32 v29, v35;
	v3 =	vld [tilespmem:$0x1FF60]  }
0x7b: {  	v10 =	vadd.s32 v15, v33;
	v2 =	vld [tilespmem:$0x1FF40];
	[tilespmem:v61+s18+$0x0] =	vst.idx.msk $0xffff, v58  }
0x7c: {  	v47 =	vshrl.u32 v52, $0x3;
	v11 =	vmov s29;
	s26 =	sadd.s32 $0x400, s26;
	v20 =	vld [tilespmem:$0x1FED0];
	[tilespmem:v62+s18+$0x0] =	vst.idx.msk $0xffff, v59  }
0x7d: {  	v36 =	vadd.s32 v32, v36;
	v38 =	vshll.u32 v38, v1;
	v52 =	vshrl.u32 v11, $0x3;
	[tilespmem:v44+s18+$0x0] =	vst.idx.msk $0xffff, v43;
	v44 =	vld [tilespmem:s26+$0x1C0]  }
0x7e: {  	v37 =	vadd.s32 v24, v37;
	v38 =	vbroadcast v38, $0x0;
	v6 =	vshll.u32 v52, v1;
	[tilespmem:v34+s18+$0x0] =	vst.idx.msk $0xffff, v4;
	v34 =	vld [tilespmem:s26+$0xFFFFFE00]  }
0x7f: {  	v33 =	vbroadcast v54, $0x0;
	v11 =	vshll.u32 v55, v1;
	v61 =	vbroadcast v6, $0x0;
	[tilespmem:v35+s18+$0x0] =	vst.idx.msk $0xffff, v5;
	v5 =	vld [tilespmem:$0x1FFC0]  }
0x80: {  	v59 =	vshrl.u32 v46, $0x3;
	v46 =	vbroadcast v11, $0x0;
	[tilespmem:v10+s18+$0x0] =	vst.idx.msk $0xffff, v56;
	v10 =	vld [tilespmem:s26+$0xFFFFFF00];
	v11 =	vadd.s32 v3, v38  }
0x81: {  	[tilespmem:v60+s18+$0x0] =	vst.idx.msk $0xffff, v57;
	v60 =	vshrl.u32 v45, $0x3;
	v45 =	vbroadcast v9, $0x0;
	v4 =	vld [tilespmem:$0x1FF90];
	v54 =	vadd.s32 v0, v61  }
0x82: {  	v55 =	vadd.s32 v12, v33;
	[tilespmem:v63+s18+$0x0] =	vst.idx.msk $0xffff, v42;
	v35 =	vld [tilespmem:s26+$0xFFFFFE40]  }
0x83: {  	v40 =	vshll.u32 v40, v1;
	[tilespmem:v36+s18+$0x0] =	vst.idx.msk $0xffff, v7;
	v36 =	vld [tilespmem:s26+$0xFFFFFE80];
	v63 =	vadd.s32 v16, v45  }
0x84: {  	v40 =	vbroadcast v40, $0x0;
	[tilespmem:v37+s18+$0x0] =	vst.idx.msk $0xffff, v8;
	v8 =	vld [tilespmem:s26+$0xFFFFFEC0]  }
0x85: {  	v53 =	vshrl.u32 v53, $0x3;
	v41 =	vshll.u32 v41, v1;
	v7 =	vld [tilespmem:s26+$0x0];
	v52 =	vadd.s32 v5, v46;
	[tilespmem:v11+s18+$0x0] =	vst.idx.msk $0xffff, v10  }
0x86: {  	v41 =	vbroadcast v41, $0x0;
	v9 =	vadd.s32 v4, v40;
	v10 =	vld [tilespmem:s26+$0x40];
	[tilespmem:v54+s18+$0x0] =	vst.idx.msk $0xffff, v44;
	v44 =	vshll.u32 v47, v1  }
0x87: {  	v60 =	vshll.u32 v60, v1;
	[tilespmem:v55+s18+$0x0] =	vst.idx.msk $0xffff, v34;
	v55 =	vadd.s32 v25, v61;
	v54 =	vld [tilespmem:s26+$0x1D0];
	v42 =	vbroadcast v44, $0x0  }
0x88: {  	v39 =	vshll.u32 v39, v1;
	v62 =	vadd.s32 v2, v41;
	[tilespmem:v63+s18+$0x0] =	vst.idx.msk $0xffff, v35;
	v35 =	vld [tilespmem:s26+$0xFFFFFF40];
	v44 =	vbroadcast v60, $0x0  }
0x89: {  	v39 =	vbroadcast v39, $0x0;
	v47 =	vshll.u32 v53, v1;
	v63 =	vld [tilespmem:s26+$0xFFFFFFC0];
	v6 =	vadd.s32 v0, v42  }
0x8a: {  	v43 =	vbroadcast v47, $0x0;
	v11 =	vadd.s32 v16, v44;
	v0 =	vld [tilespmem:$0x1FF50];
	[tilespmem:v52+s18+$0x0] =	vst.idx.msk $0xffff, v36  }
0x8b: {  	v50 =	vshrl.u32 v50, $0x3;
	v36 =	vld [tilespmem:s26+$0xFFFFFF80];
	v52 =	vadd.s32 v28, v39;
	[tilespmem:v9+s18+$0x0] =	vst.idx.msk $0xffff, v8;
	v9 =	vshll.u32 v59, v1  }
0x8c: {  	v50 =	vshll.u32 v50, v1;
	v8 =	vadd.s32 v12, v43;
	v47 =	vbroadcast v9, $0x0;
	v9 =	vld [tilespmem:s26+$0x140];
	[tilespmem:v55+s18+$0x0] =	vst.idx.msk $0xffff, v54  }
0x8d: {  	v34 =	vbroadcast v50, $0x0;
	[tilespmem:v62+s18+$0x0] =	vst.idx.msk $0xffff, v35;
	v50 =	vld [tilespmem:s26+$0x1E0]  }
0x8e: {  	v51 =	vshrl.u32 v51, $0x3;
	[tilespmem:v6+s18+$0x0] =	vst.idx.msk $0xffff, v63;
	v63 =	vld [tilespmem:s26+$0xC0]  }
0x8f: {  	v48 =	vshrl.u32 v48, $0x3;
	v60 =	vshll.u32 v51, v1;
	v51 =	vadd.s32 v26, v61;
	[tilespmem:v11+s18+$0x0] =	vst.idx.msk $0xffff, v10;
	v11 =	vld [tilespmem:s26+$0x180]  }
0x90: {  	v49 =	vshrl.u32 v49, $0x3;
	v35 =	vbroadcast v60, $0x0;
	v62 =	vshll.u32 v48, v1;
	[tilespmem:v52+s18+$0x0] =	vst.idx.msk $0xffff, v36;
	v52 =	vld [tilespmem:s26+$0x80]  }
0x91: {  	v54 =	vadd.s32 v5, v47;
	v5 =	vadd.s32 v4, v34;
	v36 =	vbroadcast v62, $0x0;
	[tilespmem:v8+s18+$0x0] =	vst.idx.msk $0xffff, v7;
	v7 =	vld [tilespmem:s26+$0x100]  }
0x92: {  	v6 =	vshll.u32 v49, v1;
	v8 =	vadd.s32 v3, v35;
	v3 =	vld [tilespmem:$0x1FFA0]  }
0x93: {  	v37 =	vbroadcast v6, $0x0;
	v10 =	vadd.s32 v2, v36;
	v2 =	vld [tilespmem:$0x1FF80]  }
0x94: {  	[tilespmem:v51+s18+$0x0] =	vst.idx.msk $0xffff, v50;
	v51 =	vadd.s32 v20, v61;
	v61 =	vld [tilespmem:s26+$0xFFFFFE50]  }
0x95: {  	v60 =	vadd.s32 v28, v37;
	v50 =	vld [tilespmem:s26+$0x1F0]  }
0x96: {  	v62 =	vadd.s32 v17, v45;
	[tilespmem:v5+s18+$0x0] =	vst.idx.msk $0xffff, v63;
	v63 =	vld [tilespmem:s26+$0xFFFFFE90]  }
0x97: {  	v5 =	vld [tilespmem:s26+$0x10]  }
0x98: {  	[tilespmem:v8+s18+$0x0] =	vst.idx.msk $0xffff, v7;
	v7 =	vld [tilespmem:s26+$0xFFFFFED0]  }
0x99: {  	v6 =	vadd.s32 v21, v46;
	[tilespmem:v10+s18+$0x0] =	vst.idx.msk $0xffff, v9;
	v9 =	vld [tilespmem:s26+$0xFFFFFF10]  }
0x9a: {  	v8 =	vadd.s32 v3, v40;
	[tilespmem:v60+s18+$0x0] =	vst.idx.msk $0xffff, v11;
	v11 =	vld [tilespmem:s26+$0xFFFFFF50]  }
0x9b: {  	v10 =	vadd.s32 v2, v38;
	[tilespmem:v62+s18+$0x0] =	vst.idx.msk $0xffff, v61;
	v61 =	vld [tilespmem:s26+$0xFFFFFF90]  }
0x9c: {  	[tilespmem:v54+s18+$0x0] =	vst.idx.msk $0xffff, v52;
	v60 =	vadd.s32 v0, v41;
	v49 =	vld [tilespmem:s26+$0x150]  }
0x9d: {  	v62 =	vadd.s32 v30, v39;
	v54 =	vld [tilespmem:s26+$0x190];
	[tilespmem:v51+s18+$0x0] =	vst.idx.msk $0xffff, v50  }
0x9e: {  	v4 =	vadd.s32 v25, v42;
	[tilespmem:v6+s18+$0x0] =	vst.idx.msk $0xffff, v63;
	v63 =	vld [tilespmem:s26+$0xFFFFFFD0]  }
0x9f: {  	v6 =	vadd.s32 v13, v43;
	[tilespmem:v8+s18+$0x0] =	vst.idx.msk $0xffff, v7;
	v7 =	vld [tilespmem:s26+$0x50]  }
0xa0: {  	v8 =	vadd.s32 v17, v44;
	[tilespmem:v10+s18+$0x0] =	vst.idx.msk $0xffff, v9;
	v9 =	vld [tilespmem:s26+$0x90]  }
0xa1: {  	[tilespmem:v60+s18+$0x0] =	vst.idx.msk $0xffff, v11;
	v10 =	vadd.s32 v21, v47;
	v11 =	vld [tilespmem:s26+$0xD0]  }
0xa2: {  	v60 =	vadd.s32 v3, v34;
	v3 =	vld [tilespmem:$0x1FFD0];
	[tilespmem:v62+s18+$0x0] =	vst.idx.msk $0xffff, v61  }
0xa3: {  	v61 =	vld [tilespmem:s26+$0x110];
	v62 =	vadd.s32 v2, v35;
	[tilespmem:v4+s18+$0x0] =	vst.idx.msk $0xffff, v63  }
0xa4: {  	v2 =	vld [tilespmem:$0x1FFB0];
	[tilespmem:v6+s18+$0x0] =	vst.idx.msk $0xffff, v5;
	v63 =	vadd.s32 v0, v36  }
0xa5: {  	v6 =	vadd.s32 v30, v37;
	v0 =	vld [tilespmem:$0x1FF70];
	[tilespmem:v8+s18+$0x0] =	vst.idx.msk $0xffff, v7  }
0xa6: {  	v7 =	vld [tilespmem:s26+$0xFFFFFE10];
	v8 =	vadd.s32 v13, v33;
	[tilespmem:v10+s18+$0x0] =	vst.idx.msk $0xffff, v9  }
0xa7: {  	v9 =	vld [tilespmem:s26+$0xFFFFFE60];
	v10 =	vadd.s32 v18, v45;
	[tilespmem:v60+s18+$0x0] =	vst.idx.msk $0xffff, v11  }
0xa8: {  	v11 =	vld [tilespmem:s26+$0xFFFFFEA0];
	v60 =	vadd.s32 v3, v46;
	[tilespmem:v62+s18+$0x0] =	vst.idx.msk $0xffff, v61  }
0xa9: {  	v61 =	vld [tilespmem:s26+$0xFFFFFEE0];
	v62 =	vadd.s32 v2, v40;
	[tilespmem:v63+s18+$0x0] =	vst.idx.msk $0xffff, v49  }
0xaa: {  	v63 =	vld [tilespmem:s26+$0xFFFFFF20];
	v4 =	vadd.s32 v0, v38;
	[tilespmem:v6+s18+$0x0] =	vst.idx.msk $0xffff, v54  }
0xab: {  	v5 =	vld [tilespmem:s26+$0xFFFFFF60];
	v6 =	vadd.s32 v22, v41;
	[tilespmem:v8+s18+$0x0] =	vst.idx.msk $0xffff, v7  }
0xac: {  	v7 =	vld [tilespmem:s26+$0xFFFFFFA0];
	v8 =	vadd.s32 v31, v39;
	[tilespmem:v10+s18+$0x0] =	vst.idx.msk $0xffff, v9  }
0xad: {  	v59 =	vadd.s32 v31, v37;
	v49 =	vld [tilespmem:s26+$0x1A0];
	[tilespmem:v60+s18+$0x0] =	vst.idx.msk $0xffff, v11  }
0xae: {  	v9 =	vld [tilespmem:s26+$0xFFFFFFE0];
	v10 =	vadd.s32 v26, v42;
	[tilespmem:v62+s18+$0x0] =	vst.idx.msk $0xffff, v61  }
0xaf: {  	v11 =	vld [tilespmem:s26+$0x20];
	v60 =	vadd.s32 v14, v43;
	[tilespmem:v4+s18+$0x0] =	vst.idx.msk $0xffff, v63  }
0xb0: {  	v61 =	vld [tilespmem:s26+$0x60];
	v62 =	vadd.s32 v18, v44;
	[tilespmem:v6+s18+$0x0] =	vst.idx.msk $0xffff, v5  }
0xb1: {  	v4 =	vld [tilespmem:s26+$0xA0];
	v5 =	vadd.s32 v3, v47;
	[tilespmem:v8+s18+$0x0] =	vst.idx.msk $0xffff, v7  }
0xb2: {  	v6 =	vld [tilespmem:s26+$0xE0];
	v7 =	vadd.s32 v2, v34;
	[tilespmem:v59+s18+$0x0] =	vst.idx.msk $0xffff, v49  }
0xb3: {  	s31 =	sadd.s32 $0x7, s28;
	v54 =	vld [tilespmem:s26+$0xFFFFFE70];
	v2 =	vadd.s32 v19, v45;
	[tilespmem:v10+s18+$0x0] =	vst.idx.msk $0xffff, v9  }
0xb4: {  	v52 =	vmov s31;
	s31 =	sadd.s32 $0xD, s28;
	v8 =	vld [tilespmem:s26+$0x120];
	v9 =	vadd.s32 v0, v35;
	[tilespmem:v60+s18+$0x0] =	vst.idx.msk $0xffff, v11  }
0xb5: {  	s0 =	sadd.s32 $0x9, s28;
	v48 =	vmov s31;
	v63 =	vmov s28;
	v10 =	vld [tilespmem:s26+$0x160];
	v11 =	vadd.s32 v22, v36;
	[tilespmem:v62+s18+$0x0] =	vst.idx.msk $0xffff, v61  }
0xb6: {  	s29 =	sadd.s32 $0x1, s28;
	s30 =	sadd.s32 $0x3, s28;
	v45 =	vmov s0;
	v60 =	vld [tilespmem:s26+$0xFFFFFE20];
	v61 =	vshrl.u32 v63, $0x3;
	v63 =	vadd.s32 v14, v33;
	[tilespmem:v5+s18+$0x0] =	vst.idx.msk $0xffff, v4  }
0xb7: {  	s3 =	sadd.s32 $0x5, s28;
	v56 =	vld [tilespmem:s26+$0xFFFFFEB0];
	v0 =	vmov s30;
	v62 =	vmov s29;
	s29 =	sadd.s32 $0x2, s28;
	v5 =	vadd.s32 v23, v46;
	[tilespmem:v7+s18+$0x0] =	vst.idx.msk $0xffff, v6  }
0xb8: {  	v40 =	vadd.s32 v27, v40;
	v55 =	vmov s29;
	s29 =	sadd.s32 $0x4, s28;
	v4 =	vmov s3;
	s3 =	sadd.s32 $0xB, s28;
	v7 =	vld [tilespmem:s26+$0xFFFFFEF0];
	[tilespmem:v2+s18+$0x0] =	vst.idx.msk $0xffff, v54  }
0xb9: {  	v3 =	vmov s29;
	s29 =	sadd.s32 $0x6, s28;
	v50 =	vmov s3;
	[tilespmem:v9+s18+$0x0] =	vst.idx.msk $0xffff, v8;
	v8 =	vld [tilespmem:s26+$0xFFFFFF30];
	v9 =	vadd.s32 v29, v38  }
0xba: {  	p1 =	slt.u32 s28, $0x70;
	v54 =	vshll.u32 v61, v1;
	v6 =	vmov s29;
	s29 =	sadd.s32 $0x8, s28;
	[tilespmem:v11+s18+$0x0] =	vst.idx.msk $0xffff, v10;
	v10 =	vld [tilespmem:s26+$0xFFFFFF70];
	v11 =	vadd.s32 v32, v41  }
.Ltmp0:
0xbb: {  	v57 =	vld [tilespmem:s26+$0xFFFFFFB0];
	v61 =	vadd.s32 v20, v42;
	v55 =	vshrl.u32 v55, $0x3;
	v53 =	vmov s29;
	s29 =	sadd.s32 $0xA, s28;
	[tilespmem:v63+s18+$0x0] =	vst.idx.msk $0xffff, v60;
	(pc) =	sbr.rel @p1 .LBB2_3-.Ltmp0, $4  }
0xbc: {  	v58 =	vld [tilespmem:s26+$0xFFFFFFF0];
	v38 =	vshrl.u32 v3, $0x3;
	v41 =	vshrl.u32 v4, $0x3;
	v46 =	vmov s29;
	[tilespmem:v5+s18+$0x0] =	vst.idx.msk $0xffff, v56  }
0xbd: {  	v59 =	vld [tilespmem:s26+$0x30];
	s29 =	sadd.s32 $0xC, s28;
	v60 =	vadd.s32 v24, v39;
	v63 =	vadd.s32 v19, v44;
	v39 =	vshrl.u32 v6, $0x3;
	[tilespmem:v40+s18+$0x0] =	vst.idx.msk $0xffff, v7  }
0xbe: {  	v42 =	vld [tilespmem:s26+$0x70];
	v44 =	vadd.s32 v23, v47;
	v51 =	vmov s29;
	s29 =	sadd.s32 $0xE, s28;
	v56 =	vshrl.u32 v62, $0x3;
	[tilespmem:v9+s18+$0x0] =	vst.idx.msk $0xffff, v8  }
0xbf: {  	v62 =	vadd.s32 v15, v43;
	v43 =	vld [tilespmem:s26+$0xB0];
	v49 =	vmov s29;
	v40 =	vshrl.u32 v0, $0x3;
	s29 =	sadd.s32 $0xF, s28;
	s28 =	sadd.s32 $0x10, s28;
	[tilespmem:v11+s18+$0x0] =	vst.idx.msk $0xffff, v10  }
0xc0: {  	_ =	sdelay $0x3  }
0xc1: {  	[tilespmem:v60+s18+$0x0] =	vst.idx.msk $0xffff, v57  }
0xc2: {  	[tilespmem:v61+s18+$0x0] =	vst.idx.msk $0xffff, v58  }
0xc3: {  	v3 =	vld [tilespmem:s26+$0xF0];
	[tilespmem:v62+s18+$0x0] =	vst.idx.msk $0xffff, v59  }
0xc4: {  	v2 =	vmov s29;
	v4 =	vadd.s32 v27, v34;
	v6 =	vld [tilespmem:s26+$0x130];
	[tilespmem:v63+s18+$0x0] =	vst.idx.msk $0xffff, v42  }
0xc5: {  	v7 =	vadd.s32 v29, v35;
	v8 =	vshrl.u32 v45, $0x3;
	v9 =	vld [tilespmem:s26+$0x170];
	v10 =	vadd.s32 v32, v36;
	[tilespmem:v44+s18+$0x0] =	vst.idx.msk $0xffff, v43  }
0xc6: {  	v11 =	vshrl.u32 v46, $0x3;
	v45 =	vadd.s32 v24, v37;
	v59 =	vshll.u32 v55, v1;
	v55 =	vld [tilespmem:$0x1FEE0]  }
0xc7: {  	v34 =	vbroadcast v54, $0x0;
	v2 =	vshrl.u32 v2, $0x3;
	v58 =	vshll.u32 v56, v1;
	v42 =	vld [tilespmem:s26+$0x1B0]  }
0xc8: {  	v46 =	vld [tilespmem:s26+$0xFFFFFE30];
	v47 =	vadd.s32 v15, v33;
	s3 =	sadd.s32 $0x400, s26;
	v2 =	vshll.u32 v2, v1;
	v33 =	vbroadcast v58, $0x0  }
0xc9: {  	v60 =	vadd.s32 v12, v34;
	v2 =	vbroadcast v2, $0x0;
	[tilespmem:v4+s18+$0x0] =	vst.idx.msk $0xffff, v3;
	v3 =	vld [tilespmem:s3+$0xFFFFFE00]  }
0xca: {  	v62 =	vld [tilespmem:s3+$0xFFFFFE40];
	v63 =	vadd.s32 v16, v33;
	[tilespmem:v7+s18+$0x0] =	vst.idx.msk $0xffff, v6  }
0xcb: {  	v43 =	vld [tilespmem:s3+$0x1C0];
	[tilespmem:v10+s18+$0x0] =	vst.idx.msk $0xffff, v9;
	v44 =	vadd.s32 v55, v2  }
0xcc: {  	v35 =	vbroadcast v59, $0x0;
	v59 =	vld [tilespmem:$0x1FFC0];
	[tilespmem:v45+s18+$0x0] =	vst.idx.msk $0xffff, v42  }
0xcd: {  	v57 =	vld [tilespmem:$0x1FF90];
	[tilespmem:v47+s18+$0x0] =	vst.idx.msk $0xffff, v46  }
0xce: {  	v20 =	vld [tilespmem:$0x1FF60];
	[tilespmem:v60+s18+$0x0] =	vst.idx.msk $0xffff, v3  }
0xcf: {  	v0 =	vshrl.u32 v52, $0x3;
	[tilespmem:v63+s18+$0x0] =	vst.idx.msk $0xffff, v62  }
0xd0: {  	v5 =	vshrl.u32 v53, $0x3;
	v54 =	vshll.u32 v38, v1;
	v61 =	vshll.u32 v40, v1;
	[tilespmem:v44+s18+$0x0] =	vst.idx.msk $0xffff, v43  }
0xd1: {  	v41 =	vshll.u32 v41, v1;
	v0 =	vshll.u32 v0, v1;
	v36 =	vbroadcast v61, $0x0;
	v63 =	vld [tilespmem:$0x1FF40]  }
0xd2: {  	v39 =	vshll.u32 v39, v1;
	v40 =	vbroadcast v0, $0x0;
	v9 =	vld [tilespmem:s3+$0xFFFFFE80];
	v10 =	vadd.s32 v59, v35  }
0xd3: {  	v38 =	vbroadcast v41, $0x0;
	v0 =	vshll.u32 v5, v1;
	v42 =	vld [tilespmem:s3+$0xFFFFFEC0];
	v58 =	vadd.s32 v57, v36  }
0xd4: {  	v41 =	vbroadcast v0, $0x0;
	v0 =	vshll.u32 v8, v1;
	v8 =	vld [tilespmem:s3+$0xFFFFFFC0];
	v56 =	vadd.s32 v55, v40  }
0xd5: {  	v39 =	vbroadcast v39, $0x0;
	v4 =	vadd.s32 v25, v2;
	v3 =	vld [tilespmem:s3+$0x1D0]  }
0xd6: {  	v37 =	vbroadcast v54, $0x0;
	v6 =	vld [tilespmem:s3+$0xFFFFFF40];
	v7 =	vadd.s32 v63, v38  }
0xd7: {  	v50 =	vshrl.u32 v50, $0x3;
	v5 =	vld [tilespmem:s3+$0xFFFFFF80];
	[tilespmem:v10+s18+$0x0] =	vst.idx.msk $0xffff, v9;
	v9 =	vadd.s32 v28, v39  }
0xd8: {  	v53 =	vld [tilespmem:s3+$0xFFFFFF00];
	v11 =	vshll.u32 v11, v1;
	v54 =	vadd.s32 v20, v37;
	[tilespmem:v58+s18+$0x0] =	vst.idx.msk $0xffff, v42;
	v42 =	vbroadcast v0, $0x0  }
0xd9: {  	v51 =	vshrl.u32 v51, $0x3;
	v50 =	vshll.u32 v50, v1;
	v60 =	vadd.s32 v12, v41;
	[tilespmem:v56+s18+$0x0] =	vst.idx.msk $0xffff, v8;
	v58 =	vld [tilespmem:s3+$0x0]  }
0xda: {  	v61 =	vld [tilespmem:s3+$0x40];
	v43 =	vbroadcast v11, $0x0;
	v44 =	vbroadcast v50, $0x0;
	v62 =	vadd.s32 v16, v42;
	[tilespmem:v4+s18+$0x0] =	vst.idx.msk $0xffff, v3  }
0xdb: {  	v0 =	vshrl.u32 v48, $0x3;
	v3 =	vshll.u32 v51, v1;
	v4 =	vld [tilespmem:s3+$0x1E0];
	[tilespmem:v7+s18+$0x0] =	vst.idx.msk $0xffff, v6;
	v6 =	vadd.s32 v26, v2  }
0xdc: {  	v0 =	vshll.u32 v0, v1;
	[tilespmem:v9+s18+$0x0] =	vst.idx.msk $0xffff, v5;
	v5 =	vld [tilespmem:s3+$0x80];
	v45 =	vbroadcast v3, $0x0;
	v7 =	vadd.s32 v59, v43  }
0xdd: {  	v49 =	vshrl.u32 v49, $0x3;
	[tilespmem:v54+s18+$0x0] =	vst.idx.msk $0xffff, v53;
	v54 =	vadd.s32 v57, v44;
	v46 =	vbroadcast v0, $0x0;
	v3 =	vld [tilespmem:s3+$0xC0]  }
0xde: {  	v56 =	vld [tilespmem:s3+$0x100];
	v0 =	vshll.u32 v49, v1;
	[tilespmem:v60+s18+$0x0] =	vst.idx.msk $0xffff, v58;
	v58 =	vadd.s32 v20, v45  }
0xdf: {  	v47 =	vbroadcast v0, $0x0;
	v0 =	vld [tilespmem:s3+$0x140];
	v60 =	vadd.s32 v63, v46;
	[tilespmem:v62+s18+$0x0] =	vst.idx.msk $0xffff, v61  }
0xe0: {  	[tilespmem:v6+s18+$0x0] =	vst.idx.msk $0xffff, v4  }
0xe1: {  	v61 =	vld [tilespmem:s3+$0x180];
	[tilespmem:v7+s18+$0x0] =	vst.idx.msk $0xffff, v5  }
0xe2: {  	v62 =	vadd.s32 v28, v47;
	v50 =	vld [tilespmem:$0x1FED0];
	[tilespmem:v54+s18+$0x0] =	vst.idx.msk $0xffff, v3  }
0xe3: {  	v3 =	vld [tilespmem:s3+$0xFFFFFE90];
	[tilespmem:v58+s18+$0x0] =	vst.idx.msk $0xffff, v56  }
0xe4: {  	v53 =	vadd.s32 v21, v35;
	v58 =	vld [tilespmem:$0x1FFA0];
	[tilespmem:v60+s18+$0x0] =	vst.idx.msk $0xffff, v0  }
0xe5: {  	v56 =	vld [tilespmem:$0x1FF80]  }
0xe6: {  	v5 =	vld [tilespmem:s3+$0xFFFFFE50]  }
0xe7: {  	v4 =	vld [tilespmem:s3+$0x1F0];
	[tilespmem:v62+s18+$0x0] =	vst.idx.msk $0xffff, v61;
	v2 =	vadd.s32 v50, v2  }
0xe8: {  	v52 =	vadd.s32 v17, v33;
	v62 =	vld [tilespmem:$0x1FF50]  }
0xe9: {  	v61 =	vadd.s32 v25, v40;
	[tilespmem:v53+s18+$0x0] =	vst.idx.msk $0xffff, v3;
	v3 =	vld [tilespmem:s3+$0xFFFFFFD0]  }
0xea: {  	v0 =	vld [tilespmem:s3+$0xFFFFFF10];
	v10 =	vadd.s32 v56, v37  }
0xeb: {  	v8 =	vld [tilespmem:s3+$0xFFFFFED0];
	v9 =	vadd.s32 v58, v36  }
0xec: {  	v60 =	vadd.s32 v30, v39;
	[tilespmem:v2+s18+$0x0] =	vst.idx.msk $0xffff, v4;
	v2 =	vld [tilespmem:s3+$0xFFFFFF90]  }
0xed: {  	v49 =	vld [tilespmem:s3+$0x10];
	[tilespmem:v52+s18+$0x0] =	vst.idx.msk $0xffff, v5;
	v53 =	vadd.s32 v13, v41  }
0xee: {  	v11 =	vld [tilespmem:s3+$0xFFFFFF50];
	v48 =	vadd.s32 v62, v38;
	[tilespmem:v61+s18+$0x0] =	vst.idx.msk $0xffff, v3  }
0xef: {  	v54 =	vadd.s32 v17, v42;
	[tilespmem:v10+s18+$0x0] =	vst.idx.msk $0xffff, v0;
	v0 =	vld [tilespmem:s3+$0x50]  }
0xf0: {  	[tilespmem:v9+s18+$0x0] =	vst.idx.msk $0xffff, v8;
	v9 =	vld [tilespmem:s3+$0x90];
	v10 =	vadd.s32 v21, v43  }
0xf1: {  	[tilespmem:v60+s18+$0x0] =	vst.idx.msk $0xffff, v2;
	v2 =	vld [tilespmem:s3+$0xD0];
	v60 =	vadd.s32 v58, v44  }
0xf2: {  	v3 =	vld [tilespmem:s3+$0x110];
	v61 =	vadd.s32 v56, v45;
	[tilespmem:v53+s18+$0x0] =	vst.idx.msk $0xffff, v49  }
0xf3: {  	v6 =	vld [tilespmem:s3+$0x150];
	v7 =	vadd.s32 v62, v46;
	[tilespmem:v48+s18+$0x0] =	vst.idx.msk $0xffff, v11  }
0xf4: {  	v11 =	vld [tilespmem:s3+$0xFFFFFE10];
	[tilespmem:v54+s18+$0x0] =	vst.idx.msk $0xffff, v0  }
0xf5: {  	v8 =	vadd.s32 v30, v47;
	v0 =	vld [tilespmem:s3+$0x190];
	[tilespmem:v10+s18+$0x0] =	vst.idx.msk $0xffff, v9  }
0xf6: {  	v9 =	vld [tilespmem:s3+$0xFFFFFE60];
	v10 =	vadd.s32 v18, v33;
	[tilespmem:v60+s18+$0x0] =	vst.idx.msk $0xffff, v2  }
0xf7: {  	v53 =	vld [tilespmem:$0x1FFD0];
	[tilespmem:v61+s18+$0x0] =	vst.idx.msk $0xffff, v3  }
0xf8: {  	v49 =	vld [tilespmem:$0x1FFB0];
	[tilespmem:v7+s18+$0x0] =	vst.idx.msk $0xffff, v6  }
0xf9: {  	v51 =	vmov v28;
	v48 =	vadd.s32 v13, v34;
	v28 =	vld [tilespmem:$0x1FF70]  }
0xfa: {  	[tilespmem:v8+s18+$0x0] =	vst.idx.msk $0xffff, v0;
	v0 =	vld [tilespmem:s3+$0xFFFFFF60];
	v8 =	vadd.s32 v22, v38  }
0xfb: {  	[tilespmem:v10+s18+$0x0] =	vst.idx.msk $0xffff, v9;
	v9 =	vld [tilespmem:s3+$0xFFFFFFA0];
	v10 =	vadd.s32 v31, v39  }
0xfc: {  	v2 =	vld [tilespmem:s3+$0xFFFFFEA0];
	v60 =	vadd.s32 v53, v35  }
0xfd: {  	v3 =	vld [tilespmem:s3+$0xFFFFFEE0];
	v61 =	vadd.s32 v49, v36  }
0xfe: {  	v6 =	vld [tilespmem:s3+$0xFFFFFF20];
	[tilespmem:v48+s18+$0x0] =	vst.idx.msk $0xffff, v11;
	v7 =	vadd.s32 v28, v37  }
0xff: {  	[tilespmem:v8+s18+$0x0] =	vst.idx.msk $0xffff, v0;
	v0 =	vld [tilespmem:s3+$0xA0];
	v8 =	vadd.s32 v53, v43  }
0x100: {  	[tilespmem:v10+s18+$0x0] =	vst.idx.msk $0xffff, v9;
	v9 =	vld [tilespmem:s3+$0xE0];
	v10 =	vadd.s32 v49, v44  }
0x101: {  	[tilespmem:v60+s18+$0x0] =	vst.idx.msk $0xffff, v2;
	v2 =	vld [tilespmem:s3+$0xFFFFFFE0];
	v60 =	vadd.s32 v26, v40  }
0x102: {  	[tilespmem:v61+s18+$0x0] =	vst.idx.msk $0xffff, v3;
	v3 =	vld [tilespmem:s3+$0x20];
	v61 =	vadd.s32 v14, v41  }
0x103: {  	v48 =	vadd.s32 v18, v42;
	[tilespmem:v7+s18+$0x0] =	vst.idx.msk $0xffff, v6;
	v6 =	vld [tilespmem:s3+$0x60]  }
0x104: {  	[tilespmem:v8+s18+$0x0] =	vst.idx.msk $0xffff, v0;
	v0 =	vld [tilespmem:s3+$0xFFFFFE70];
	v8 =	vadd.s32 v19, v33  }
0x105: {  	[tilespmem:v10+s18+$0x0] =	vst.idx.msk $0xffff, v9;
	v9 =	vld [tilespmem:s3+$0xFFFFFEB0];
	v10 =	vadd.s32 v23, v35  }
0x106: {  	[tilespmem:v60+s18+$0x0] =	vst.idx.msk $0xffff, v2;
	v2 =	vld [tilespmem:s3+$0x120];
	v60 =	vadd.s32 v28, v45  }
0x107: {  	[tilespmem:v61+s18+$0x0] =	vst.idx.msk $0xffff, v3;
	v3 =	vld [tilespmem:s3+$0x160];
	v61 =	vadd.s32 v22, v46  }
0x108: {  	v33 =	vld [tilespmem:s3+$0xFFFFFF70];
	v35 =	vadd.s32 v32, v38;
	[tilespmem:v48+s18+$0x0] =	vst.idx.msk $0xffff, v6  }
0x109: {  	v7 =	vadd.s32 v31, v47;
	v6 =	vld [tilespmem:s3+$0x1A0];
	[tilespmem:v8+s18+$0x0] =	vst.idx.msk $0xffff, v0  }
0x10a: {  	v11 =	vld [tilespmem:s3+$0xFFFFFE20];
	v48 =	vadd.s32 v14, v34;
	[tilespmem:v10+s18+$0x0] =	vst.idx.msk $0xffff, v9  }
0x10b: {  	[tilespmem:v60+s18+$0x0] =	vst.idx.msk $0xffff, v2;
	v2 =	vld [tilespmem:s3+$0xFFFFFEF0];
	v60 =	vadd.s32 v27, v36  }
0x10c: {  	v38 =	vadd.s32 v50, v40;
	[tilespmem:v61+s18+$0x0] =	vst.idx.msk $0xffff, v3;
	v3 =	vld [tilespmem:s3+$0xFFFFFF30];
	v61 =	vadd.s32 v29, v37  }
0x10d: {  	v40 =	vadd.s32 v19, v42;
	v0 =	vld [tilespmem:s3+$0xFFFFFFB0];
	[tilespmem:v35+s18+$0x0] =	vst.idx.msk $0xffff, v33;
	v36 =	vadd.s32 v24, v39  }
0x10e: {  	v42 =	vadd.s32 v23, v43;
	v39 =	vadd.s32 v15, v41;
	v41 =	vld [tilespmem:s3+$0xB0];
	[tilespmem:v7+s18+$0x0] =	vst.idx.msk $0xffff, v6  }
0x10f: {  	v37 =	vld [tilespmem:s3+$0xFFFFFFF0];
	[tilespmem:v48+s18+$0x0] =	vst.idx.msk $0xffff, v11  }
0x110: {  	[tilespmem:v60+s18+$0x0] =	vst.idx.msk $0xffff, v2;
	v2 =	vld [tilespmem:s3+$0x30]  }
0x111: {  	[tilespmem:v61+s18+$0x0] =	vst.idx.msk $0xffff, v3;
	v3 =	vld [tilespmem:s3+$0x70]  }
0x112: {  	v43 =	vadd.s32 v27, v44;
	v45 =	vadd.s32 v29, v45;
	v44 =	vld [tilespmem:s3+$0x130];
	[tilespmem:v36+s18+$0x0] =	vst.idx.msk $0xffff, v0  }
0x113: {  	v0 =	vld [tilespmem:s3+$0xF0];
	[tilespmem:v42+s18+$0x0] =	vst.idx.msk $0xffff, v41  }
0x114: {  	v11 =	vld [tilespmem:s3+$0xFFFFFE30];
	[tilespmem:v38+s18+$0x0] =	vst.idx.msk $0xffff, v37;
	v61 =	vadd.s32 v15, v34  }
0x115: {  	v48 =	vadd.s32 v32, v46;
	[tilespmem:v39+s18+$0x0] =	vst.idx.msk $0xffff, v2;
	v2 =	vld [tilespmem:s3+$0x170]  }
0x116: {  	v60 =	vadd.s32 v24, v47;
	[tilespmem:v40+s18+$0x0] =	vst.idx.msk $0xffff, v3;
	v3 =	vld [tilespmem:s3+$0x1B0]  }
0x117: {  	s0 =	sadd.s32 s1, s25;
	[tilespmem:v45+s18+$0x0] =	vst.idx.msk $0xffff, v44  }
0x118: {  	s28 =	sshll.u32 s0, $0x7;
	[tilespmem:v43+s18+$0x0] =	vst.idx.msk $0xffff, v0  }
0x119: {  	s28 =	sand.u32 $0x3F00, s28;
	s26 =	sshll.u32 s0, $0xA;
	[tilespmem:v61+s18+$0x0] =	vst.idx.msk $0xffff, v11  }
0x11a: {  	s28 =	sadd.s32 s4, s28;
	s26 =	sand.u32 $0xFFE0000, s26;
	[tilespmem:v48+s18+$0x0] =	vst.idx.msk $0xffff, v2  }
0x11b: {  	s28 =	sadd.s32 s26, s28;
	s3 =	simm.s32 $0x4100;
	[tilespmem:v60+s18+$0x0] =	vst.idx.msk $0xffff, v3  }
0x11c: {  	[hbm4b:s28+s5] =	stream.linear.scatter [tilespmem:s3], [sflag:$0x5], $0x80, $0x38;
	[tilespmem:$0x8500] =	vst v63  }
0x11d: {  	s0 =	simm.s32 $0x4188;
	s29 =	sadd.s32 $0x10, s28  }
0x11e: {  	[hbm4b:s29+s5] =	stream.linear.scatter [tilespmem:s0], [sflag:$0x5], $0x80, $0x38;
	[tilespmem:$0x8500] =	vst v63  }
0x11f: {  	s3 =	simm.s32 $0x4210;
	s29 =	sadd.s32 $0x20, s28  }
0x120: {  	[hbm4b:s29+s5] =	stream.linear.scatter [tilespmem:s3], [sflag:$0x5], $0x80, $0x38;
	[tilespmem:$0x8500] =	vst v63  }
0x121: {  	s0 =	simm.s32 $0x4298;
	s29 =	sadd.s32 $0x30, s28  }
0x122: {  	[hbm4b:s29+s5] =	stream.linear.scatter [tilespmem:s0], [sflag:$0x5], $0x80, $0x38;
	[tilespmem:$0x8500] =	vst v63  }
0x123: {  	s3 =	simm.s32 $0x4320;
	s29 =	sadd.s32 $0x40, s28  }
0x124: {  	[hbm4b:s29+s5] =	stream.linear.scatter [tilespmem:s3], [sflag:$0x5], $0x80, $0x38;
	[tilespmem:$0x8500] =	vst v63  }
0x125: {  	s30 =	simm.s32 $0x44B8;
	s0 =	simm.s32 $0x43A8;
	s29 =	sadd.s32 $0x50, s28  }
0x126: {  	v52 =	vmov v25;
	[hbm4b:s29+s5] =	stream.linear.scatter [tilespmem:s0], [sflag:$0x5], $0x80, $0x38;
	[tilespmem:$0x8500] =	vst v63  }
0x127: {  	s26 =	simm.s32 $0x440;
	v54 =	vmovc v30;
	v30 =	vmovc v26;
	v26 =	vmov v56;
	v19 =	vmov v20;
	v31 =	vmov v29;
	s3 =	simm.s32 $0x4430;
	s29 =	sadd.s32 $0x60, s28  }
0x128: {  	v27 =	vmovc v62;
	v32 =	vmovc v50;
	v39 =	vmov v59;
	v59 =	vmov v23;
	v23 =	vmov v58;
	[hbm4b:s29+s5] =	stream.linear.scatter [tilespmem:s3], [sflag:$0x5], $0x80, $0x38;
	[tilespmem:$0x8500] =	vst v63  }
0x129: {  	s31 =	sadd.s32 $0x70, s28;
	v58 =	vmovc v49;
	v40 =	vmovc v57;
	v57 =	vmov v55;
	v60 =	vmov v14;
	v14 =	vmov v22;
	s28 =	sadd.s32 $0x4000, s28;
	s29 =	simm.s32 $0x2200  }
.LBB2_5:
0x12a: {  	[hbm4b:s31+s5] =	stream.linear.scatter [tilespmem:s30], [sflag:$0x5], $0x80, $0x38;
	[tilespmem:$0x8500] =	vst v63  }
0x12b: {  	s30 =	smov.u32 s26;
	s26 =	smov.u32 s29  }
0x12c: {  	s3 =	sadd.s32 $0x1100, s29;
	s26 =	sshra.s32 s26, $0x2;
	s31 =	sadd.s32 $0x4100, s30  }
0x12d: {  	[hbm4b:s28+s5] =	stream.linear.scatter [tilespmem:s31], [sflag:$0x5], $0x80, $0x38;
	[tilespmem:$0x8500] =	vst v63  }
0x12e: {  	p1 =	sne.s32 s29, $0x7700;
	s29 =	sadd.s32 $0x4188, s30;
	s31 =	sadd.s32 $0x10, s28  }
0x12f: {  	[hbm4b:s31+s5] =	stream.linear.scatter [tilespmem:s29], [sflag:$0x5], $0x80, $0x38;
	[tilespmem:$0x8500] =	vst v63  }
0x130: {  	s29 =	sadd.s32 $0x4210, s30;
	s31 =	sadd.s32 $0x20, s28  }
0x131: {  	[hbm4b:s31+s5] =	stream.linear.scatter [tilespmem:s29], [sflag:$0x5], $0x80, $0x38;
	[tilespmem:$0x8500] =	vst v63  }
0x132: {  	s29 =	sadd.s32 $0x4298, s30;
	s31 =	sadd.s32 $0x30, s28  }
0x133: {  	[hbm4b:s31+s5] =	stream.linear.scatter [tilespmem:s29], [sflag:$0x5], $0x80, $0x38;
	[tilespmem:$0x8500] =	vst v63  }
0x134: {  	s29 =	sadd.s32 $0x4320, s30;
	s31 =	sadd.s32 $0x40, s28  }
0x135: {  	[hbm4b:s31+s5] =	stream.linear.scatter [tilespmem:s29], [sflag:$0x5], $0x80, $0x38;
	[tilespmem:$0x8500] =	vst v63  }
.Ltmp1:
0x136: {  	s29 =	sadd.s32 $0x43A8, s30;
	s31 =	sadd.s32 $0x50, s28;
	(pc) =	sbr.rel @p1 .LBB2_5-.Ltmp1, $4  }
0x137: {  	[hbm4b:s31+s5] =	stream.linear.scatter [tilespmem:s29], [sflag:$0x5], $0x80, $0x38;
	[tilespmem:$0x8500] =	vst v63  }
0x138: {  	s29 =	sadd.s32 $0x4430, s30;
	s31 =	sadd.s32 $0x60, s28;
	s30 =	sadd.s32 $0x44B8, s30  }
0x139: {  	[hbm4b:s31+s5] =	stream.linear.scatter [tilespmem:s29], [sflag:$0x5], $0x80, $0x38;
	[tilespmem:$0x8500] =	vst v63  }
0x13a: {  	s31 =	sadd.s32 $0x70, s28;
	s28 =	sadd.s32 $0x4000, s28;
	s29 =	smov.u32 s3  }
0x13b: {  	[hbm4b:s31+s5] =	stream.linear.scatter [tilespmem:s30], [sflag:$0x5], $0x80, $0x38;
	[tilespmem:$0x8500] =	vst v63  }
0x13c: {  	s3 =	sadd.s32 $0x4100, s26  }
0x13d: {  	[hbm4b:s28+s5] =	stream.linear.scatter [tilespmem:s3], [sflag:$0x5], $0x80, $0x38;
	[tilespmem:$0x8500] =	vst v63  }
0x13e: {  	s31 =	sadd.s32 $0x4188, s26;
	s29 =	sadd.s32 $0x10, s28  }
0x13f: {  	[hbm4b:s29+s5] =	stream.linear.scatter [tilespmem:s31], [sflag:$0x5], $0x80, $0x38;
	[tilespmem:$0x8500] =	vst v63  }
0x140: {  	s0 =	sadd.s32 $0x4210, s26;
	s29 =	sadd.s32 $0x20, s28  }
0x141: {  	[hbm4b:s29+s5] =	stream.linear.scatter [tilespmem:s0], [sflag:$0x5], $0x80, $0x38;
	[tilespmem:$0x8500] =	vst v63  }
0x142: {  	s31 =	sadd.s32 $0x4298, s26;
	s29 =	sadd.s32 $0x30, s28  }
0x143: {  	[hbm4b:s29+s5] =	stream.linear.scatter [tilespmem:s31], [sflag:$0x5], $0x80, $0x38;
	[tilespmem:$0x8500] =	vst v63  }
0x144: {  	s0 =	sadd.s32 $0x4320, s26;
	s29 =	sadd.s32 $0x40, s28  }
0x145: {  	[hbm4b:s29+s5] =	stream.linear.scatter [tilespmem:s0], [sflag:$0x5], $0x80, $0x38;
	[tilespmem:$0x8500] =	vst v63  }
0x146: {  	s31 =	sadd.s32 $0x43A8, s26;
	s29 =	sadd.s32 $0x50, s28;
	s0 =	sadd.s32 $0x4430, s26  }
0x147: {  	[hbm4b:s29+s5] =	stream.linear.scatter [tilespmem:s31], [sflag:$0x5], $0x80, $0x38;
	[tilespmem:$0x8500] =	vst v63  }
0x148: {  	s29 =	sadd.s32 $0x60, s28;
	s31 =	sadd.s32 $0x44B8, s26;
	s26 =	smin.u32 s25, $0x31D  }
0x149: {  	[hbm4b:s29+s5] =	stream.linear.scatter [tilespmem:s0], [sflag:$0x5], $0x80, $0x38;
	[tilespmem:$0x8500] =	vst v63  }
0x14a: {  	s3 =	sadd.s32 s26, s9;
	s0 =	sadd.s32 $0x70, s28  }
0x14b: {  	[hbm4b:s0+s5] =	stream.linear.scatter [tilespmem:s31], [sflag:$0x5], $0x80, $0x38;
	[tilespmem:$0x8500] =	vst v63  }
0x14c: {  	s31 =	sshll.u32 s3, $0xA  }
0x14d: {  	s28 =	sshll.u32 s3, $0x7;
	s3 =	sand.u32 $0x380, s3;
	s26 =	sand.u32 $0x1FC00, s31  }
0x14e: {  	s28 =	sand.u32 $0x7E0000, s28;
	s0 =	simm.s32 $0x0;
	s3 =	sor.u32 s3, s26  }
0x14f: {  	v0 =	vmov s0;
	s31 =	simm.s32 $0x2;
	s0 =	simm.s32 $0x3;
	s3 =	sor.u32 s28, s3  }
0x150: {  	s26 =	simm.s32 $0x1;
	v3 =	vmov s31;
	s31 =	simm.s32 $0x5;
	s3 =	sshrl.u32 s3, $0x3  }
0x151: {  	v0 =	vshrl.u32 v0, $0x3;
	v4 =	vmov s0;
	s0 =	simm.s32 $0x6;
	s28 =	simm.s32 $0x4;
	s3 =	sadd.s32 s2, s3  }
0x152: {  	v2 =	vmov s26;
	v6 =	vmov s31;
	v7 =	vmov s0;
	[tilespmem:s5], [sflag:$0x1] =	stream.linear.gather [hbm4b:s3+s5], $0x80, $0x38;
	[tilespmem:$0x8500] =	vst v63  }
0x153: {  	s31 =	simm.s32 $0x8;
	s0 =	simm.s32 $0x9;
	v0 =	vshll.u32 v0, v1;
	v3 =	vshrl.u32 v3, $0x3;
	v4 =	vshrl.u32 v4, $0x3;
	_ =	swait.ge [sflag:s19], $0x2000  }
0x154: {  	s26 =	simm.s32 $0xB;
	v5 =	vmov s28;
	v9 =	vmov s31;
	v10 =	vmov s0;
	[sflag:s19] =	ssyncset.done $0x0  }
0x155: {  	s28 =	simm.s32 $0x7;
	s31 =	simm.s32 $0xC;
	v34 =	vmov s26;
	v2 =	vshrl.u32 v2, $0x3;
	v6 =	vshrl.u32 v6, $0x3;
	[sflag:s19] =	ssyncadd.s32 $0xFFFFE000  }
0x156: {  	s0 =	simm.s32 $0xE;
	s26 =	simm.s32 $0xF;
	v7 =	vshrl.u32 v7, $0x3;
	v8 =	vmov s28;
	v35 =	vmov s31;
	_ =	swait.ge [sflag:s12], $0x80  }
0x157: {  	v37 =	vmov s0;
	v33 =	vmov s26;
	v5 =	vshrl.u32 v5, $0x3;
	[sflag:s12] =	ssyncset.done $0x0  }
0x158: {  	s28 =	simm.s32 $0xA;
	v9 =	vshrl.u32 v9, $0x3;
	v10 =	vshrl.u32 v10, $0x3;
	v6 =	vshll.u32 v6, v1;
	s3 =	simm.s32 @!p0 $0x6;
	[sflag:s12] =	ssyncadd.s32 $0xFFFFFF80  }
0x159: {  	v55 =	vshll.u32 v7, v1;
	v11 =	vmov s28;
	v33 =	vshrl.u32 v33, $0x3;
	[tilespmem:s14], [sflag:$0x3] =	stream.indirect.gather [hbm4b:s7+s13], $0x40, s5, s13, $0xb8;
	[tilespmem:$0x8500] =	vst v63  }
0x15a: {  	v8 =	vshrl.u32 v8, $0x3;
	v35 =	vshrl.u32 v35, $0x3;
	v33 =	vshll.u32 v33, v1;
	_ =	swait.ge @!p0 [sflag:s3], $0x2000  }
0x15b: {  	v15 =	vbroadcast v55, $0x0;
	v11 =	vshrl.u32 v11, $0x3;
	v48 =	vbroadcast v33, $0x0;
	[sflag:s3] =	ssyncset.done @!p0 $0x0  }
0x15c: {  	s26 =	simm.s32 $0x2300;
	v33 =	vbroadcast v0, $0x0;
	v0 =	vshll.u32 v2, v1;
	v11 =	vshll.u32 v11, v1;
	[sflag:s3] =	ssyncadd.s32 @!p0 $0xFFFFE000  }
0x15d: {  	v47 =	vbroadcast v0, $0x0;
	v0 =	vshll.u32 v3, v1;
	v3 =	vadd.s32 v57, v48;
	v2 =	vld [tilespmem:s26+$0x1C0]  }
0x15e: {  	v41 =	vadd.s32 v12, v33;
	v46 =	vbroadcast v0, $0x0;
	v0 =	vshll.u32 v4, v1;
	v38 =	vld [tilespmem:s26+$0xFFFFFE00]  }
0x15f: {  	v42 =	vadd.s32 v16, v47;
	v45 =	vbroadcast v0, $0x0;
	v0 =	vshll.u32 v5, v1;
	v56 =	vld [tilespmem:s26+$0xFFFFFE40]  }
0x160: {  	v20 =	vmovc v39;
	v43 =	vadd.s32 v39, v46;
	v39 =	vbroadcast v0, $0x0;
	v0 =	vshrl.u32 v34, $0x3;
	v61 =	vld [tilespmem:s26+$0xFFFFFE80]  }
0x161: {  	v24 =	vmovc v40;
	v44 =	vadd.s32 v40, v45;
	v40 =	vbroadcast v6, $0x0;
	v6 =	vadd.s32 v52, v48;
	v62 =	vld [tilespmem:s26+$0xFFFFFEC0]  }
0x162: {  	s28 =	simm.s32 $0xD;
	v37 =	vshrl.u32 v37, $0x3;
	v0 =	vshll.u32 v0, v1;
	v50 =	vadd.s32 v19, v39;
	v49 =	vld [tilespmem:s26+$0xFFFFFF00];
	[tilespmem:v3+s20+$0x0] =	vst.idx.msk $0xffff, v2  }
0x163: {  	v36 =	vmov s28;
	v5 =	vld [tilespmem:s26+$0xFFFFFF80];
	[tilespmem:v41+s20+$0x0] =	vst.idx.msk $0xffff, v38;
	v2 =	vshll.u32 v8, v1;
	v8 =	vadd.s32 v51, v15  }
0x164: {  	v34 =	vbroadcast v0, $0x0;
	[tilespmem:v42+s20+$0x0] =	vst.idx.msk $0xffff, v56;
	v3 =	vld [tilespmem:s26+$0x1D0];
	v41 =	vbroadcast v2, $0x0;
	v2 =	vshll.u32 v9, v1  }
0x165: {  	v7 =	vadd.s32 v63, v40;
	v4 =	vld [tilespmem:s26+$0xFFFFFF40];
	[tilespmem:v43+s20+$0x0] =	vst.idx.msk $0xffff, v61;
	v42 =	vbroadcast v2, $0x0;
	v2 =	vshll.u32 v10, v1  }
0x166: {  	v0 =	vshll.u32 v35, v1;
	[tilespmem:v44+s20+$0x0] =	vst.idx.msk $0xffff, v62;
	v9 =	vld [tilespmem:s26+$0xFFFFFFC0];
	v56 =	vadd.s32 v57, v41;
	v43 =	vbroadcast v2, $0x0  }
0x167: {  	v55 =	vmovc v51;
	[tilespmem:v50+s20+$0x0] =	vst.idx.msk $0xffff, v49;
	v44 =	vbroadcast v11, $0x0;
	v2 =	vshrl.u32 v36, $0x3;
	v57 =	vld [tilespmem:s26+$0x0];
	v61 =	vadd.s32 v12, v42  }
0x168: {  	v35 =	vbroadcast v0, $0x0;
	v51 =	vld [tilespmem:s26+$0x40];
	v0 =	vshll.u32 v2, v1;
	v62 =	vadd.s32 v16, v43;
	[tilespmem:v8+s20+$0x0] =	vst.idx.msk $0xffff, v5  }
0x169: {  	v5 =	vld [tilespmem:s26+$0x80];
	v36 =	vbroadcast v0, $0x0;
	v0 =	vshll.u32 v37, v1;
	[tilespmem:v6+s20+$0x0] =	vst.idx.msk $0xffff, v3;
	v6 =	vadd.s32 v20, v44  }
0x16a: {  	[tilespmem:v7+s20+$0x0] =	vst.idx.msk $0xffff, v4;
	v4 =	vadd.s32 v30, v48;
	v37 =	vbroadcast v0, $0x0;
	v3 =	vld [tilespmem:s26+$0x1E0]  }
0x16b: {  	v2 =	vld [tilespmem:s26+$0xC0];
	[tilespmem:v56+s20+$0x0] =	vst.idx.msk $0xffff, v9;
	v56 =	vadd.s32 v24, v34  }
0x16c: {  	v29 =	vmov v52;
	v52 =	vld [tilespmem:s26+$0xFFFFFE50];
	v38 =	vadd.s32 v55, v37;
	v55 =	vadd.s32 v17, v47;
	[tilespmem:v61+s20+$0x0] =	vst.idx.msk $0xffff, v57  }
0x16d: {  	v57 =	vld [tilespmem:s26+$0x100];
	v61 =	vadd.s32 v19, v35;
	[tilespmem:v62+s20+$0x0] =	vst.idx.msk $0xffff, v51  }
0x16e: {  	v0 =	vld [tilespmem:s26+$0x140];
	v62 =	vadd.s32 v63, v36;
	[tilespmem:v6+s20+$0x0] =	vst.idx.msk $0xffff, v5  }
0x16f: {  	v63 =	vld [tilespmem:s26+$0x180];
	[tilespmem:v4+s20+$0x0] =	vst.idx.msk $0xffff, v3  }
0x170: {  	v4 =	vadd.s32 v32, v48;
	v3 =	vld [tilespmem:s26+$0x1F0];
	[tilespmem:v56+s20+$0x0] =	vst.idx.msk $0xffff, v2  }
0x171: {  	v2 =	vld [tilespmem:s26+$0xFFFFFE90];
	v56 =	vadd.s32 v21, v46;
	[tilespmem:v55+s20+$0x0] =	vst.idx.msk $0xffff, v52  }
0x172: {  	v51 =	vld [tilespmem:s26+$0x10];
	v52 =	vadd.s32 v13, v42;
	[tilespmem:v61+s20+$0x0] =	vst.idx.msk $0xffff, v57  }
0x173: {  	v57 =	vld [tilespmem:s26+$0xFFFFFED0];
	v61 =	vadd.s32 v23, v45;
	[tilespmem:v62+s20+$0x0] =	vst.idx.msk $0xffff, v0  }
0x174: {  	v0 =	vld [tilespmem:s26+$0xFFFFFF10];
	v62 =	vadd.s32 v26, v39;
	[tilespmem:v38+s20+$0x0] =	vst.idx.msk $0xffff, v63  }
0x175: {  	v63 =	vld [tilespmem:s26+$0xFFFFFF50];
	v38 =	vadd.s32 v27, v40;
	[tilespmem:v4+s20+$0x0] =	vst.idx.msk $0xffff, v3  }
0x176: {  	v49 =	vadd.s32 v54, v15;
	v3 =	vld [tilespmem:s26+$0xFFFFFF90];
	[tilespmem:v56+s20+$0x0] =	vst.idx.msk $0xffff, v2  }
0x177: {  	v50 =	vadd.s32 v29, v41;
	v2 =	vld [tilespmem:s26+$0xFFFFFFD0];
	[tilespmem:v52+s20+$0x0] =	vst.idx.msk $0xffff, v51  }
0x178: {  	v56 =	vld [tilespmem:s26+$0x90];
	[tilespmem:v61+s20+$0x0] =	vst.idx.msk $0xffff, v57;
	v57 =	vadd.s32 v21, v44  }
0x179: {  	v55 =	vadd.s32 v17, v43;
	[tilespmem:v62+s20+$0x0] =	vst.idx.msk $0xffff, v0;
	v0 =	vld [tilespmem:s26+$0x50]  }
0x17a: {  	[tilespmem:v38+s20+$0x0] =	vst.idx.msk $0xffff, v63;
	v63 =	vld [tilespmem:s26+$0x150];
	v38 =	vadd.s32 v27, v36  }
0x17b: {  	v61 =	vadd.s32 v23, v34;
	[tilespmem:v49+s20+$0x0] =	vst.idx.msk $0xffff, v3;
	v3 =	vld [tilespmem:s26+$0xD0]  }
0x17c: {  	v62 =	vadd.s32 v26, v35;
	[tilespmem:v50+s20+$0x0] =	vst.idx.msk $0xffff, v2;
	v2 =	vld [tilespmem:s26+$0x110]  }
0x17d: {  	[tilespmem:v57+s20+$0x0] =	vst.idx.msk $0xffff, v56;
	v56 =	vld [tilespmem:s26+$0xFFFFFE60];
	v57 =	vadd.s32 v18, v47  }
0x17e: {  	v52 =	vadd.s32 v54, v37;
	[tilespmem:v55+s20+$0x0] =	vst.idx.msk $0xffff, v0;
	v0 =	vld [tilespmem:s26+$0x190]  }
0x17f: {  	v54 =	vld [tilespmem:s26+$0xFFFFFE10];
	v55 =	vadd.s32 v13, v33;
	[tilespmem:v38+s20+$0x0] =	vst.idx.msk $0xffff, v63  }
0x180: {  	[tilespmem:v61+s20+$0x0] =	vst.idx.msk $0xffff, v3  }
0x181: {  	v3 =	vld [tilespmem:s26+$0xFFFFFEA0];
	v61 =	vadd.s32 v53, v46;
	[tilespmem:v62+s20+$0x0] =	vst.idx.msk $0xffff, v2  }
0x182: {  	v2 =	vld [tilespmem:s26+$0xFFFFFEE0];
	v62 =	vadd.s32 v58, v45;
	[tilespmem:v57+s20+$0x0] =	vst.idx.msk $0xffff, v56  }
0x183: {  	v63 =	vld [tilespmem:s26+$0xFFFFFF20];
	v38 =	vadd.s32 v28, v39;
	[tilespmem:v52+s20+$0x0] =	vst.idx.msk $0xffff, v0  }
0x184: {  	v48 =	vadd.s32 v14, v40;
	[tilespmem:v55+s20+$0x0] =	vst.idx.msk $0xffff, v54;
	v0 =	vld [tilespmem:s26+$0xFFFFFF60]  }
0x185: {  	v50 =	vld [tilespmem:$0x1FF30]  }
0x186: {  	v56 =	vadd.s32 v30, v41;
	[tilespmem:v61+s20+$0x0] =	vst.idx.msk $0xffff, v3;
	v3 =	vld [tilespmem:s26+$0xFFFFFFE0]  }
0x187: {  	[tilespmem:v62+s20+$0x0] =	vst.idx.msk $0xffff, v2;
	v2 =	vld [tilespmem:s26+$0x20];
	v61 =	vadd.s32 v60, v42  }
0x188: {  	v22 =	vmov v53;
	[tilespmem:v38+s20+$0x0] =	vst.idx.msk $0xffff, v63;
	v63 =	vadd.s32 v18, v43;
	v62 =	vld [tilespmem:s26+$0x60]  }
0x189: {  	v38 =	vadd.s32 v22, v44;
	[tilespmem:v48+s20+$0x0] =	vst.idx.msk $0xffff, v0;
	v0 =	vld [tilespmem:s26+$0xA0]  }
0x18a: {  	v49 =	vld [tilespmem:s26+$0xFFFFFFA0];
	v55 =	vadd.s32 v50, v15  }
0x18b: {  	[tilespmem:v56+s20+$0x0] =	vst.idx.msk $0xffff, v3  }
0x18c: {  	[tilespmem:v61+s20+$0x0] =	vst.idx.msk $0xffff, v2  }
0x18d: {  	[tilespmem:v63+s20+$0x0] =	vst.idx.msk $0xffff, v62  }
0x18e: {  	v9 =	vld [tilespmem:s26+$0xE0];
	v57 =	vadd.s32 v58, v34;
	[tilespmem:v38+s20+$0x0] =	vst.idx.msk $0xffff, v0  }
0x18f: {  	v4 =	vadd.s32 v28, v35;
	v3 =	vld [tilespmem:s26+$0x120];
	[tilespmem:v55+s20+$0x0] =	vst.idx.msk $0xffff, v49  }
0x190: {  	v19 =	vld [tilespmem:$0x1FFF0]  }
0x191: {  	v6 =	vld [tilespmem:s26+$0x1A0]  }
0x192: {  	v5 =	vadd.s32 v14, v36;
	v2 =	vld [tilespmem:s26+$0x160]  }
0x193: {  	v48 =	vld [tilespmem:s26+$0xFFFFFE20];
	v7 =	vadd.s32 v50, v37;
	[tilespmem:v57+s20+$0x0] =	vst.idx.msk $0xffff, v9  }
0x194: {  	v62 =	vadd.s32 v60, v33;
	v63 =	vld [tilespmem:s26+$0xFFFFFE70];
	[tilespmem:v4+s20+$0x0] =	vst.idx.msk $0xffff, v3  }
0x195: {  	v27 =	vld [tilespmem:$0x1FFE0];
	v47 =	vadd.s32 v19, v47;
	_ =	sdelay $0x1  }
0x196: {  	[tilespmem:v5+s20+$0x0] =	vst.idx.msk $0xffff, v2  }
0x197: {  	v56 =	vld [tilespmem:s26+$0xFFFFFEB0];
	[tilespmem:v7+s20+$0x0] =	vst.idx.msk $0xffff, v6  }
0x198: {  	v26 =	vmov v58;
	v58 =	vadd.s32 v59, v46;
	v4 =	vld [tilespmem:s26+$0xFFFFFEF0];
	[tilespmem:v62+s20+$0x0] =	vst.idx.msk $0xffff, v48  }
0x199: {  	v25 =	vmov v23;
	s31 =	simm.s32 $0x10;
	v23 =	vmov v59;
	v29 =	vld [tilespmem:$0x1FEB0];
	v59 =	vadd.s32 v27, v45;
	[tilespmem:v47+s20+$0x0] =	vst.idx.msk $0xffff, v63  }
0x19a: {  	v61 =	vmov s31;
	v30 =	vld [tilespmem:$0x1FEC0]  }
0x19b: {  	s28 =	simm.s32 $0x13;
	v44 =	vadd.s32 v23, v44;
	s31 =	simm.s32 $0x12;
	v61 =	vshrl.u32 v61, $0x3  }
0x19c: {  	s0 =	simm.s32 $0x11;
	v0 =	vmov s31;
	v38 =	vmov s28;
	s28 =	simm.s32 $0x15;
	v54 =	vshll.u32 v61, v1  }
0x19d: {  	s31 =	simm.s32 $0x16;
	v61 =	vadd.s32 v32, v41;
	v55 =	vmov s0;
	s0 =	simm.s32 $0x14;
	v10 =	vmov s28;
	v2 =	vld [tilespmem:s26+$0xFFFFFF30];
	[tilespmem:v58+s20+$0x0] =	vst.idx.msk $0xffff, v56  }
0x19e: {  	s28 =	simm.s32 $0x17;
	v8 =	vmov s31;
	v9 =	vmov s0;
	v5 =	vadd.s32 v31, v39;
	v6 =	vld [tilespmem:s26+$0xFFFFFF70];
	[tilespmem:v59+s20+$0x0] =	vst.idx.msk $0xffff, v4  }
0x19f: {  	s31 =	simm.s32 $0x1A;
	v52 =	vmov s28;
	s0 =	simm.s32 $0x18;
	v11 =	vadd.s32 v29, v40;
	v47 =	vmovc v60;
	v60 =	vadd.s32 v30, v15;
	v15 =	vld [tilespmem:$0x1FE90]  }
0x1a0: {  	s28 =	simm.s32 $0x19;
	v46 =	vmov s31;
	s31 =	simm.s32 $0x1E;
	v57 =	vld [tilespmem:s26+$0xFFFFFFB0];
	v41 =	vshrl.u32 v10, $0x3;
	v53 =	vmov s0  }
0x1a1: {  	s0 =	simm.s32 $0x1C;
	v49 =	vmov s31;
	v45 =	vmov s28;
	s28 =	simm.s32 $0x1B;
	v63 =	vadd.s32 v19, v43;
	v43 =	vld [tilespmem:s26+$0xB0]  }
0x1a2: {  	v51 =	vmov s0;
	v39 =	vshrl.u32 v8, $0x3;
	v50 =	vmov s28;
	v58 =	vld [tilespmem:s26+$0xFFFFFFF0]  }
0x1a3: {  	s28 =	simm.s32 $0x1D;
	v40 =	vshrl.u32 v38, $0x3;
	v56 =	vshrl.u32 v55, $0x3;
	v55 =	vshrl.u32 v0, $0x3;
	v0 =	vmovc v14;
	v59 =	vld [tilespmem:s26+$0x30];
	[tilespmem:v5+s20+$0x0] =	vst.idx.msk $0xffff, v2  }
0x1a4: {  	s30 =	simm.s32 $0x1F;
	s29 =	simm.s32 $0x20;
	v38 =	vshrl.u32 v9, $0x3;
	v48 =	vmov s28;
	s28 =	sor.u32 $0x1, s25;
	v14 =	vmovc v47;
	v28 =	vmovc v0;
	[tilespmem:v11+s20+$0x0] =	vst.idx.msk $0xffff, v6;
	v62 =	vadd.s32 v15, v42;
	v42 =	vld [tilespmem:s26+$0x70]  }
.LBB2_7:
0x1a5: {  	v3 =	vld [tilespmem:s26+$0xF0]  }
0x1a6: {  	v6 =	vld [tilespmem:s26+$0x130]  }
0x1a7: {  	v9 =	vld [tilespmem:s26+$0x170]  }
0x1a8: {  	v4 =	vadd.s32 v27, v34;
	v34 =	vld [tilespmem:s26+$0x1B0]  }
0x1a9: {  	v0 =	vshrl.u32 v52, $0x3;
	v52 =	vld [tilespmem:$0x1FEE0]  }
0x1aa: {  	v10 =	vadd.s32 v29, v36;
	v36 =	vshrl.u32 v50, $0x3;
	v50 =	vshrl.u32 v51, $0x3;
	v51 =	vld [tilespmem:$0x1FF80];
	[tilespmem:v60+s20+$0x0] =	vst.idx.msk $0xffff, v57  }
0x1ab: {  	v7 =	vadd.s32 v31, v35;
	[tilespmem:v61+s20+$0x0] =	vst.idx.msk $0xffff, v58;
	v58 =	vld [tilespmem:s26+$0xFFFFFE30]  }
0x1ac: {  	[tilespmem:v62+s20+$0x0] =	vst.idx.msk $0xffff, v59;
	v57 =	vshll.u32 v56, v1;
	v59 =	vadd.s32 v15, v33;
	v33 =	vbroadcast v54, $0x0;
	v56 =	vld [tilespmem:$0x1FF60]  }
0x1ad: {  	v2 =	vmov s30;
	[tilespmem:v63+s20+$0x0] =	vst.idx.msk $0xffff, v42;
	s26 =	sadd.s32 $0x400, s26;
	v63 =	vshll.u32 v55, v1;
	v55 =	vld [tilespmem:$0x1FF40]  }
0x1ae: {  	v5 =	vshrl.u32 v53, $0x3;
	v2 =	vshrl.u32 v2, $0x3;
	[tilespmem:v4+s20+$0x0] =	vst.idx.msk $0xffff, v3;
	v3 =	vld [tilespmem:s26+$0xFFFFFE00];
	v53 =	vadd.s32 v12, v33  }
0x1af: {  	v2 =	vshll.u32 v2, v1;
	[tilespmem:v44+s20+$0x0] =	vst.idx.msk $0xffff, v43;
	v54 =	vld [tilespmem:$0x1FF00]  }
0x1b0: {  	v2 =	vbroadcast v2, $0x0;
	v43 =	vld [tilespmem:s26+$0x1C0];
	[tilespmem:v7+s20+$0x0] =	vst.idx.msk $0xffff, v6  }
0x1b1: {  	v8 =	vshrl.u32 v45, $0x3;
	v11 =	vshrl.u32 v46, $0x3;
	v60 =	vadd.s32 v30, v37;
	v6 =	vld [tilespmem:s26+$0xFFFFFE40];
	[tilespmem:v10+s20+$0x0] =	vst.idx.msk $0xffff, v9  }
0x1b2: {  	v0 =	vshll.u32 v0, v1;
	v45 =	vbroadcast v57, $0x0;
	v44 =	vadd.s32 v52, v2;
	v9 =	vld [tilespmem:s26+$0xFFFFFE80];
	[tilespmem:v59+s20+$0x0] =	vst.idx.msk $0xffff, v58  }
0x1b3: {  	v61 =	vshll.u32 v40, v1;
	v62 =	vshll.u32 v38, v1;
	v46 =	vbroadcast v63, $0x0;
	[tilespmem:v53+s20+$0x0] =	vst.idx.msk $0xffff, v3;
	v53 =	vld [tilespmem:$0x1FEF0]  }
0x1b4: {  	v40 =	vbroadcast v61, $0x0;
	v38 =	vbroadcast v62, $0x0;
	v62 =	vld [tilespmem:s26+$0xFFFFFF00];
	v7 =	vadd.s32 v16, v45  }
0x1b5: {  	v42 =	vbroadcast v0, $0x0;
	v0 =	vshll.u32 v5, v1;
	v5 =	vld [tilespmem:s26+$0xFFFFFF80];
	v63 =	vadd.s32 v20, v46  }
0x1b6: {  	v41 =	vshll.u32 v41, v1;
	v61 =	vadd.s32 v24, v40;
	[tilespmem:v60+s20+$0x0] =	vst.idx.msk $0xffff, v34;
	v60 =	vld [tilespmem:s26+$0xFFFFFEC0]  }
0x1b7: {  	v57 =	vadd.s32 v52, v42;
	v52 =	vld [tilespmem:$0x1FF50];
	v47 =	vadd.s32 v56, v38;
	[tilespmem:v44+s20+$0x0] =	vst.idx.msk $0xffff, v43  }
0x1b8: {  	v39 =	vshll.u32 v39, v1;
	v41 =	vbroadcast v41, $0x0;
	v3 =	vld [tilespmem:s26+$0x1D0];
	v4 =	vadd.s32 v53, v2  }
0x1b9: {  	v39 =	vbroadcast v39, $0x0;
	v58 =	vld [tilespmem:s26+$0x0];
	v43 =	vbroadcast v0, $0x0;
	v0 =	vshll.u32 v8, v1;
	[tilespmem:v7+s20+$0x0] =	vst.idx.msk $0xffff, v6  }
0x1ba: {  	v11 =	vshll.u32 v11, v1;
	v8 =	vld [tilespmem:s26+$0xFFFFFFC0];
	v44 =	vbroadcast v0, $0x0;
	[tilespmem:v63+s20+$0x0] =	vst.idx.msk $0xffff, v9  }
0x1bb: {  	v0 =	vshrl.u32 v48, $0x3;
	v6 =	vld [tilespmem:s26+$0xFFFFFF40];
	v7 =	vadd.s32 v55, v41;
	v63 =	vadd.s32 v54, v39;
	[tilespmem:v61+s20+$0x0] =	vst.idx.msk $0xffff, v60  }
0x1bc: {  	v49 =	vshrl.u32 v49, $0x3;
	v59 =	vadd.s32 v12, v43;
	v0 =	vshll.u32 v0, v1;
	[tilespmem:v47+s20+$0x0] =	vst.idx.msk $0xffff, v62;
	v60 =	vld [tilespmem:s26+$0x40]  }
0x1bd: {  	v61 =	vadd.s32 v16, v44;
	v47 =	vbroadcast v11, $0x0;
	[tilespmem:v4+s20+$0x0] =	vst.idx.msk $0xffff, v3;
	v3 =	vshll.u32 v50, v1;
	v50 =	vld [tilespmem:$0x1FF10]  }
0x1be: {  	v62 =	vshll.u32 v36, v1;
	v36 =	vbroadcast v0, $0x0;
	v0 =	vshll.u32 v49, v1;
	v49 =	vld [tilespmem:$0x1FF20]  }
0x1bf: {  	v34 =	vbroadcast v62, $0x0;
	[tilespmem:v57+s20+$0x0] =	vst.idx.msk $0xffff, v8;
	v37 =	vbroadcast v0, $0x0;
	v0 =	vld [tilespmem:s26+$0x140]  }
0x1c0: {  	[tilespmem:v63+s20+$0x0] =	vst.idx.msk $0xffff, v5;
	v5 =	vld [tilespmem:s26+$0x80];
	v63 =	vadd.s32 v20, v47  }
0x1c1: {  	[tilespmem:v7+s20+$0x0] =	vst.idx.msk $0xffff, v6;
	v57 =	vadd.s32 v24, v34;
	v35 =	vbroadcast v3, $0x0;
	v3 =	vld [tilespmem:s26+$0xC0]  }
0x1c2: {  	[tilespmem:v59+s20+$0x0] =	vst.idx.msk $0xffff, v58;
	v4 =	vld [tilespmem:s26+$0x1E0];
	v6 =	vadd.s32 v50, v2  }
0x1c3: {  	v58 =	vld [tilespmem:s26+$0x100];
	[tilespmem:v61+s20+$0x0] =	vst.idx.msk $0xffff, v60;
	v60 =	vadd.s32 v55, v36  }
0x1c4: {  	v62 =	vadd.s32 v54, v37;
	v61 =	vld [tilespmem:s26+$0x180]  }
0x1c5: {  	v54 =	vadd.s32 v53, v42;
	v53 =	vld [tilespmem:s26+$0xFFFFFE10];
	[tilespmem:v63+s20+$0x0] =	vst.idx.msk $0xffff, v5;
	v59 =	vadd.s32 v56, v35  }
0x1c6: {  	v63 =	vld [tilespmem:s26+$0xFFFFFE50];
	v56 =	vadd.s32 v17, v45;
	[tilespmem:v57+s20+$0x0] =	vst.idx.msk $0xffff, v3  }
0x1c7: {  	v3 =	vld [tilespmem:s26+$0xFFFFFE90];
	v57 =	vadd.s32 v21, v46;
	[tilespmem:v6+s20+$0x0] =	vst.idx.msk $0xffff, v4  }
0x1c8: {  	[tilespmem:v60+s20+$0x0] =	vst.idx.msk $0xffff, v0;
	v2 =	vadd.s32 v32, v2;
	v4 =	vld [tilespmem:s26+$0x1F0]  }
0x1c9: {  	v0 =	vld [tilespmem:s26+$0xFFFFFF10];
	v60 =	vadd.s32 v51, v38;
	[tilespmem:v62+s20+$0x0] =	vst.idx.msk $0xffff, v61  }
0x1ca: {  	v61 =	vld [tilespmem:s26+$0xFFFFFF50];
	v62 =	vadd.s32 v52, v41;
	[tilespmem:v59+s20+$0x0] =	vst.idx.msk $0xffff, v58  }
0x1cb: {  	v58 =	vld [tilespmem:s26+$0xFFFFFED0];
	v59 =	vadd.s32 v25, v40;
	[tilespmem:v56+s20+$0x0] =	vst.idx.msk $0xffff, v63  }
0x1cc: {  	[tilespmem:v57+s20+$0x0] =	vst.idx.msk $0xffff, v3;
	v3 =	vld [tilespmem:s26+$0xFFFFFFD0]  }
0x1cd: {  	v63 =	vadd.s32 v49, v39;
	[tilespmem:v2+s20+$0x0] =	vst.idx.msk $0xffff, v4;
	v2 =	vld [tilespmem:s26+$0xFFFFFF90]  }
0x1ce: {  	v55 =	vld [tilespmem:s26+$0x10];
	v56 =	vadd.s32 v13, v43;
	[tilespmem:v60+s20+$0x0] =	vst.idx.msk $0xffff, v0  }
0x1cf: {  	v0 =	vld [tilespmem:s26+$0x50];
	[tilespmem:v62+s20+$0x0] =	vst.idx.msk $0xffff, v61;
	v57 =	vadd.s32 v17, v44  }
0x1d0: {  	[tilespmem:v59+s20+$0x0] =	vst.idx.msk $0xffff, v58;
	v58 =	vld [tilespmem:s26+$0x90];
	v59 =	vadd.s32 v21, v47  }
0x1d1: {  	v61 =	vadd.s32 v51, v35;
	[tilespmem:v54+s20+$0x0] =	vst.idx.msk $0xffff, v3;
	v3 =	vld [tilespmem:s26+$0x110]  }
0x1d2: {  	v60 =	vadd.s32 v25, v34;
	[tilespmem:v63+s20+$0x0] =	vst.idx.msk $0xffff, v2;
	v2 =	vld [tilespmem:s26+$0xD0]  }
0x1d3: {  	[tilespmem:v56+s20+$0x0] =	vst.idx.msk $0xffff, v55;
	v55 =	vld [tilespmem:s26+$0xFFFFFE60];
	v56 =	vadd.s32 v18, v45  }
0x1d4: {  	[tilespmem:v57+s20+$0x0] =	vst.idx.msk $0xffff, v0;
	v0 =	vld [tilespmem:s26+$0x190];
	v63 =	vadd.s32 v52, v36;
	v52 =	vadd.s32 v49, v37  }
0x1d5: {  	v62 =	vld [tilespmem:s26+$0x150];
	[tilespmem:v59+s20+$0x0] =	vst.idx.msk $0xffff, v58  }
0x1d6: {  	v58 =	vadd.s32 v26, v40;
	[tilespmem:v61+s20+$0x0] =	vst.idx.msk $0xffff, v3;
	v3 =	vld [tilespmem:s26+$0xFFFFFEE0]  }
0x1d7: {  	[tilespmem:v60+s20+$0x0] =	vst.idx.msk $0xffff, v2;
	v2 =	vld [tilespmem:s26+$0xFFFFFEA0]  }
0x1d8: {  	v54 =	vadd.s32 v13, v33;
	[tilespmem:v56+s20+$0x0] =	vst.idx.msk $0xffff, v55;
	v60 =	vld [tilespmem:$0x1FF70]  }
0x1d9: {  	v57 =	vadd.s32 v22, v46;
	[tilespmem:v52+s20+$0x0] =	vst.idx.msk $0xffff, v0;
	v52 =	vld [tilespmem:$0x1FF30]  }
0x1da: {  	[tilespmem:v63+s20+$0x0] =	vst.idx.msk $0xffff, v62;
	v0 =	vld [tilespmem:s26+$0xFFFFFF60];
	v62 =	vadd.s32 v28, v41  }
0x1db: {  	v55 =	vadd.s32 v14, v43;
	[tilespmem:v58+s20+$0x0] =	vst.idx.msk $0xffff, v3;
	v3 =	vld [tilespmem:s26+$0x20]  }
0x1dc: {  	v10 =	vadd.s32 v26, v34;
	v9 =	vld [tilespmem:s26+$0xE0]  }
0x1dd: {  	v59 =	vld [tilespmem:s26+$0xFFFFFF20];
	[tilespmem:v54+s20+$0x0] =	vst.idx.msk $0xffff, v53;
	v61 =	vadd.s32 v60, v38  }
0x1de: {  	v63 =	vld [tilespmem:s26+$0xFFFFFFA0];
	v53 =	vadd.s32 v52, v39;
	[tilespmem:v57+s20+$0x0] =	vst.idx.msk $0xffff, v2  }
0x1df: {  	v54 =	vadd.s32 v50, v42;
	v2 =	vld [tilespmem:s26+$0xFFFFFFE0];
	[tilespmem:v62+s20+$0x0] =	vst.idx.msk $0xffff, v0  }
0x1e0: {  	v56 =	vld [tilespmem:s26+$0x60];
	v57 =	vadd.s32 v18, v44;
	[tilespmem:v55+s20+$0x0] =	vst.idx.msk $0xffff, v3  }
0x1e1: {  	v58 =	vadd.s32 v22, v47;
	v0 =	vld [tilespmem:s26+$0xA0];
	[tilespmem:v10+s20+$0x0] =	vst.idx.msk $0xffff, v9  }
0x1e2: {  	v6 =	vld [tilespmem:s26+$0x1A0];
	v7 =	vadd.s32 v52, v37;
	[tilespmem:v61+s20+$0x0] =	vst.idx.msk $0xffff, v59  }
0x1e3: {  	s30 =	sadd.s32 $0x3, s29;
	v5 =	vadd.s32 v28, v36;
	v3 =	vld [tilespmem:s26+$0x160];
	[tilespmem:v53+s20+$0x0] =	vst.idx.msk $0xffff, v63  }
0x1e4: {  	s3 =	sadd.s32 $0x1, s29;
	v8 =	vmov s30;
	v4 =	vadd.s32 v60, v35;
	[tilespmem:v54+s20+$0x0] =	vst.idx.msk $0xffff, v2;
	v2 =	vld [tilespmem:s26+$0x120]  }
0x1e5: {  	s0 =	sadd.s32 $0x4, s29;
	s30 =	sadd.s32 $0x5, s29;
	v40 =	vadd.s32 v27, v40;
	v55 =	vmov s3;
	v60 =	vld [tilespmem:s26+$0xFFFFFE20];
	[tilespmem:v57+s20+$0x0] =	vst.idx.msk $0xffff, v56;
	v61 =	vadd.s32 v14, v33  }
0x1e6: {  	v62 =	vld [tilespmem:s26+$0xFFFFFE70];
	v9 =	vmov s0;
	v10 =	vmov s30;
	s30 =	sadd.s32 $0x7, s29;
	[tilespmem:v58+s20+$0x0] =	vst.idx.msk $0xffff, v0;
	v63 =	vadd.s32 v19, v45  }
0x1e7: {  	s31 =	sadd.s32 $0x2, s29;
	v52 =	vmov s30;
	v59 =	vmov s29;
	[tilespmem:v7+s20+$0x0] =	vst.idx.msk $0xffff, v6;
	v6 =	vld [tilespmem:s26+$0xFFFFFF70];
	v7 =	vadd.s32 v29, v41  }
0x1e8: {  	s0 =	sadd.s32 $0x8, s29;
	s30 =	sadd.s32 $0x9, s29;
	v0 =	vmov s31;
	v58 =	vld [tilespmem:s26+$0xFFFFFEB0];
	[tilespmem:v5+s20+$0x0] =	vst.idx.msk $0xffff, v3;
	v11 =	vshrl.u32 v59, $0x3;
	v59 =	vadd.s32 v23, v46  }
0x1e9: {  	v53 =	vmov s0;
	v45 =	vmov s30;
	v5 =	vadd.s32 v31, v38;
	v3 =	vld [tilespmem:s26+$0xFFFFFF30];
	[tilespmem:v4+s20+$0x0] =	vst.idx.msk $0xffff, v2  }
0x1ea: {  	p0 =	slt.u32 s29, $0x70;
	s30 =	sadd.s32 $0xB, s29;
	s0 =	sadd.s32 $0xC, s29;
	v56 =	vshrl.u32 v55, $0x3;
	v38 =	vshrl.u32 v9, $0x3;
	v41 =	vshrl.u32 v10, $0x3;
	v4 =	vld [tilespmem:s26+$0xFFFFFEF0];
	[tilespmem:v61+s20+$0x0] =	vst.idx.msk $0xffff, v60  }
.Ltmp2:
0x1eb: {  	v50 =	vmov s30;
	s30 =	sadd.s32 $0xD, s29;
	v51 =	vmov s0;
	v57 =	vld [tilespmem:s26+$0xFFFFFFB0];
	v55 =	vshrl.u32 v0, $0x3;
	[tilespmem:v63+s20+$0x0] =	vst.idx.msk $0xffff, v62;
	(pc) =	sbr.rel @p0 .LBB2_7-.Ltmp2, $4  }
0x1ec: {  	s31 =	sadd.s32 $0x6, s29;
	v48 =	vmov s30;
	v54 =	vshll.u32 v11, v1;
	v61 =	vadd.s32 v32, v42;
	v42 =	vld [tilespmem:s26+$0x70];
	[tilespmem:v7+s20+$0x0] =	vst.idx.msk $0xffff, v6  }
0x1ed: {  	v2 =	vmov s31;
	s31 =	sadd.s32 $0xA, s29;
	v60 =	vadd.s32 v30, v39;
	v62 =	vadd.s32 v15, v43;
	v43 =	vld [tilespmem:s26+$0xB0];
	[tilespmem:v59+s20+$0x0] =	vst.idx.msk $0xffff, v58  }
0x1ee: {  	v63 =	vadd.s32 v19, v44;
	v44 =	vadd.s32 v23, v47;
	v46 =	vmov s31;
	s31 =	sadd.s32 $0xE, s29;
	v58 =	vld [tilespmem:s26+$0xFFFFFFF0];
	[tilespmem:v5+s20+$0x0] =	vst.idx.msk $0xffff, v3  }
0x1ef: {  	s30 =	sadd.s32 $0xF, s29;
	v59 =	vld [tilespmem:s26+$0x30];
	v39 =	vshrl.u32 v2, $0x3;
	s29 =	sadd.s32 $0x10, s29;
	v49 =	vmov s31;
	[tilespmem:v40+s20+$0x0] =	vst.idx.msk $0xffff, v4;
	v40 =	vshrl.u32 v8, $0x3  }
0x1f0: {  	_ =	sdelay $0x3  }
0x1f1: {  	[tilespmem:v60+s20+$0x0] =	vst.idx.msk $0xffff, v57  }
0x1f2: {  	[tilespmem:v63+s20+$0x0] =	vst.idx.msk $0xffff, v42  }
0x1f3: {  	[tilespmem:v44+s20+$0x0] =	vst.idx.msk $0xffff, v43  }
0x1f4: {  	v3 =	vld [tilespmem:s26+$0xF0];
	[tilespmem:v61+s20+$0x0] =	vst.idx.msk $0xffff, v58  }
0x1f5: {  	v4 =	vadd.s32 v27, v34;
	v6 =	vld [tilespmem:s26+$0x130];
	[tilespmem:v62+s20+$0x0] =	vst.idx.msk $0xffff, v59  }
0x1f6: {  	v2 =	vmov s30;
	v7 =	vadd.s32 v31, v35;
	v62 =	vshll.u32 v56, v1;
	v56 =	vld [tilespmem:$0x1FEE0]  }
0x1f7: {  	v9 =	vld [tilespmem:s26+$0x170];
	v10 =	vadd.s32 v29, v36;
	v2 =	vshrl.u32 v2, $0x3  }
0x1f8: {  	v34 =	vbroadcast v54, $0x0;
	v47 =	vadd.s32 v15, v33;
	v63 =	vld [tilespmem:s26+$0xFFFFFE30];
	v2 =	vshll.u32 v2, v1  }
0x1f9: {  	v60 =	vld [tilespmem:s26+$0x1B0];
	s3 =	sadd.s32 $0x400, s26;
	v2 =	vbroadcast v2, $0x0;
	v61 =	vadd.s32 v30, v37  }
0x1fa: {  	v33 =	vbroadcast v62, $0x0;
	[tilespmem:v4+s20+$0x0] =	vst.idx.msk $0xffff, v3;
	v3 =	vld [tilespmem:s3+$0xFFFFFE00];
	v4 =	vadd.s32 v12, v34  }
0x1fb: {  	v5 =	vshrl.u32 v53, $0x3;
	v53 =	vshll.u32 v55, v1;
	v43 =	vld [tilespmem:s3+$0x1C0];
	[tilespmem:v7+s20+$0x0] =	vst.idx.msk $0xffff, v6;
	v55 =	vadd.s32 v56, v2  }
0x1fc: {  	v6 =	vld [tilespmem:s3+$0xFFFFFE40];
	[tilespmem:v10+s20+$0x0] =	vst.idx.msk $0xffff, v9;
	v7 =	vadd.s32 v16, v33  }
0x1fd: {  	[tilespmem:v47+s20+$0x0] =	vst.idx.msk $0xffff, v63  }
0x1fe: {  	[tilespmem:v61+s20+$0x0] =	vst.idx.msk $0xffff, v60  }
0x1ff: {  	v35 =	vbroadcast v53, $0x0;
	v62 =	vld [tilespmem:$0x1FF60];
	[tilespmem:v4+s20+$0x0] =	vst.idx.msk $0xffff, v3  }
0x200: {  	v9 =	vld [tilespmem:s3+$0xFFFFFE80];
	[tilespmem:v55+s20+$0x0] =	vst.idx.msk $0xffff, v43  }
0x201: {  	v57 =	vshll.u32 v40, v1;
	v10 =	vadd.s32 v20, v35;
	v54 =	vld [tilespmem:$0x1FEF0];
	[tilespmem:v7+s20+$0x0] =	vst.idx.msk $0xffff, v6  }
0x202: {  	v36 =	vbroadcast v57, $0x0;
	v58 =	vshll.u32 v38, v1;
	v57 =	vld [tilespmem:$0x1FF40]  }
0x203: {  	v8 =	vshrl.u32 v45, $0x3;
	v42 =	vld [tilespmem:s3+$0xFFFFFEC0];
	v37 =	vbroadcast v58, $0x0  }
0x204: {  	v11 =	vshrl.u32 v46, $0x3;
	v46 =	vld [tilespmem:s3+$0xFFFFFF00];
	v45 =	vadd.s32 v24, v36;
	v59 =	vshll.u32 v41, v1  }
0x205: {  	v38 =	vbroadcast v59, $0x0;
	v63 =	vadd.s32 v62, v37;
	v3 =	vld [tilespmem:s3+$0x1D0]  }
0x206: {  	v6 =	vld [tilespmem:s3+$0xFFFFFF40];
	[tilespmem:v10+s20+$0x0] =	vst.idx.msk $0xffff, v9;
	v4 =	vadd.s32 v54, v2  }
0x207: {  	v55 =	vld [tilespmem:$0x1FF00];
	v7 =	vadd.s32 v57, v38  }
0x208: {  	v0 =	vshrl.u32 v52, $0x3;
	v39 =	vshll.u32 v39, v1  }
0x209: {  	v50 =	vshrl.u32 v50, $0x3;
	v39 =	vbroadcast v39, $0x0;
	v0 =	vshll.u32 v0, v1;
	[tilespmem:v45+s20+$0x0] =	vst.idx.msk $0xffff, v42  }
0x20a: {  	v11 =	vshll.u32 v11, v1;
	v40 =	vbroadcast v0, $0x0;
	v0 =	vshll.u32 v5, v1;
	[tilespmem:v63+s20+$0x0] =	vst.idx.msk $0xffff, v46  }
0x20b: {  	v5 =	vld [tilespmem:s3+$0xFFFFFF80];
	v41 =	vbroadcast v0, $0x0;
	v0 =	vshll.u32 v8, v1;
	v43 =	vbroadcast v11, $0x0;
	[tilespmem:v4+s20+$0x0] =	vst.idx.msk $0xffff, v3  }
0x20c: {  	v8 =	vld [tilespmem:s3+$0xFFFFFFC0];
	v42 =	vbroadcast v0, $0x0;
	v0 =	vshrl.u32 v48, $0x3;
	v9 =	vadd.s32 v55, v39;
	[tilespmem:v7+s20+$0x0] =	vst.idx.msk $0xffff, v6  }
0x20d: {  	v11 =	vshll.u32 v50, v1;
	v10 =	vadd.s32 v56, v40;
	v0 =	vshll.u32 v0, v1;
	v50 =	vld [tilespmem:$0x1FF10]  }
0x20e: {  	v49 =	vshrl.u32 v49, $0x3;
	v59 =	vld [tilespmem:s3+$0x0];
	v60 =	vadd.s32 v12, v41;
	v46 =	vbroadcast v0, $0x0  }
0x20f: {  	v51 =	vshrl.u32 v51, $0x3;
	v61 =	vld [tilespmem:s3+$0x40];
	v63 =	vadd.s32 v16, v42;
	v0 =	vshll.u32 v49, v1  }
0x210: {  	v44 =	vbroadcast v11, $0x0;
	v47 =	vbroadcast v0, $0x0;
	v0 =	vld [tilespmem:s3+$0x140];
	v11 =	vadd.s32 v57, v46  }
0x211: {  	v3 =	vshll.u32 v51, v1;
	v7 =	vadd.s32 v20, v43;
	[tilespmem:v9+s20+$0x0] =	vst.idx.msk $0xffff, v5;
	v5 =	vld [tilespmem:s3+$0x80]  }
0x212: {  	v4 =	vld [tilespmem:s3+$0x1E0];
	v45 =	vbroadcast v3, $0x0;
	[tilespmem:v10+s20+$0x0] =	vst.idx.msk $0xffff, v8;
	v6 =	vadd.s32 v50, v2  }
0x213: {  	v3 =	vld [tilespmem:s3+$0xC0];
	v8 =	vadd.s32 v24, v44;
	[tilespmem:v60+s20+$0x0] =	vst.idx.msk $0xffff, v59  }
0x214: {  	v9 =	vld [tilespmem:s3+$0x100];
	[tilespmem:v63+s20+$0x0] =	vst.idx.msk $0xffff, v61;
	v10 =	vadd.s32 v62, v45  }
0x215: {  	v58 =	vld [tilespmem:s3+$0x180];
	v59 =	vadd.s32 v55, v47;
	[tilespmem:v11+s20+$0x0] =	vst.idx.msk $0xffff, v0  }
0x216: {  	[tilespmem:v7+s20+$0x0] =	vst.idx.msk $0xffff, v5  }
0x217: {  	v5 =	vld [tilespmem:s3+$0xFFFFFE50];
	[tilespmem:v6+s20+$0x0] =	vst.idx.msk $0xffff, v4;
	v6 =	vadd.s32 v17, v33  }
0x218: {  	v2 =	vadd.s32 v32, v2;
	[tilespmem:v8+s20+$0x0] =	vst.idx.msk $0xffff, v3;
	v4 =	vld [tilespmem:s3+$0x1F0]  }
0x219: {  	[tilespmem:v10+s20+$0x0] =	vst.idx.msk $0xffff, v9  }
0x21a: {  	v63 =	vld [tilespmem:$0x1FF80];
	[tilespmem:v59+s20+$0x0] =	vst.idx.msk $0xffff, v58  }
0x21b: {  	v59 =	vld [tilespmem:$0x1FF50]  }
0x21c: {  	v3 =	vld [tilespmem:s3+$0xFFFFFE90];
	v7 =	vadd.s32 v21, v35;
	[tilespmem:v6+s20+$0x0] =	vst.idx.msk $0xffff, v5  }
0x21d: {  	v8 =	vld [tilespmem:s3+$0xFFFFFED0];
	[tilespmem:v2+s20+$0x0] =	vst.idx.msk $0xffff, v4  }
0x21e: {  	v9 =	vadd.s32 v25, v36;
	v49 =	vld [tilespmem:$0x1FF20]  }
0x21f: {  	v0 =	vld [tilespmem:s3+$0xFFFFFF10];
	v10 =	vadd.s32 v63, v37  }
0x220: {  	v11 =	vld [tilespmem:s3+$0xFFFFFF50];
	v60 =	vadd.s32 v59, v38  }
0x221: {  	v5 =	vadd.s32 v54, v40;
	[tilespmem:v7+s20+$0x0] =	vst.idx.msk $0xffff, v3;
	v3 =	vld [tilespmem:s3+$0xFFFFFFD0]  }
0x222: {  	v6 =	vld [tilespmem:s3+$0x10];
	v7 =	vadd.s32 v13, v41  }
0x223: {  	v2 =	vld [tilespmem:s3+$0xFFFFFF90];
	[tilespmem:v9+s20+$0x0] =	vst.idx.msk $0xffff, v8;
	v4 =	vadd.s32 v49, v39  }
0x224: {  	v8 =	vadd.s32 v17, v42;
	[tilespmem:v10+s20+$0x0] =	vst.idx.msk $0xffff, v0;
	v0 =	vld [tilespmem:s3+$0x50]  }
0x225: {  	v9 =	vld [tilespmem:s3+$0x90];
	v10 =	vadd.s32 v21, v43;
	[tilespmem:v60+s20+$0x0] =	vst.idx.msk $0xffff, v11  }
0x226: {  	[tilespmem:v5+s20+$0x0] =	vst.idx.msk $0xffff, v3;
	v3 =	vld [tilespmem:s3+$0x110];
	v5 =	vadd.s32 v63, v45  }
0x227: {  	[tilespmem:v7+s20+$0x0] =	vst.idx.msk $0xffff, v6;
	v6 =	vld [tilespmem:s3+$0x150];
	v7 =	vadd.s32 v59, v46  }
0x228: {  	[tilespmem:v4+s20+$0x0] =	vst.idx.msk $0xffff, v2;
	v2 =	vld [tilespmem:s3+$0xD0];
	v4 =	vadd.s32 v25, v44  }
0x229: {  	[tilespmem:v8+s20+$0x0] =	vst.idx.msk $0xffff, v0;
	v0 =	vld [tilespmem:s3+$0x190];
	v8 =	vadd.s32 v49, v47  }
0x22a: {  	v61 =	vadd.s32 v13, v34;
	v11 =	vld [tilespmem:s3+$0xFFFFFE10];
	[tilespmem:v10+s20+$0x0] =	vst.idx.msk $0xffff, v9  }
0x22b: {  	v9 =	vld [tilespmem:s3+$0xFFFFFE60];
	v10 =	vadd.s32 v18, v33;
	[tilespmem:v5+s20+$0x0] =	vst.idx.msk $0xffff, v3  }
0x22c: {  	[tilespmem:v7+s20+$0x0] =	vst.idx.msk $0xffff, v6  }
0x22d: {  	v3 =	vld [tilespmem:s3+$0xFFFFFEE0];
	v5 =	vadd.s32 v26, v36;
	[tilespmem:v4+s20+$0x0] =	vst.idx.msk $0xffff, v2  }
0x22e: {  	v53 =	vld [tilespmem:$0x1FF70];
	[tilespmem:v8+s20+$0x0] =	vst.idx.msk $0xffff, v0  }
0x22f: {  	v2 =	vld [tilespmem:s3+$0xFFFFFEA0];
	v4 =	vadd.s32 v22, v35;
	[tilespmem:v61+s20+$0x0] =	vst.idx.msk $0xffff, v11  }
0x230: {  	v0 =	vld [tilespmem:s3+$0xFFFFFF60];
	[tilespmem:v10+s20+$0x0] =	vst.idx.msk $0xffff, v9  }
0x231: {  	v8 =	vadd.s32 v28, v38;
	v58 =	vld [tilespmem:$0x1FF30]  }
0x232: {  	[tilespmem:v5+s20+$0x0] =	vst.idx.msk $0xffff, v3;
	v3 =	vld [tilespmem:s3+$0x20];
	v5 =	vadd.s32 v14, v41  }
0x233: {  	v60 =	vadd.s32 v14, v34;
	v11 =	vld [tilespmem:s3+$0xFFFFFE20]  }
0x234: {  	[tilespmem:v4+s20+$0x0] =	vst.idx.msk $0xffff, v2;
	v2 =	vld [tilespmem:s3+$0xFFFFFFE0];
	v4 =	vadd.s32 v50, v40  }
0x235: {  	v6 =	vld [tilespmem:s3+$0xFFFFFF20];
	v7 =	vadd.s32 v53, v37  }
0x236: {  	[tilespmem:v8+s20+$0x0] =	vst.idx.msk $0xffff, v0;
	v0 =	vld [tilespmem:s3+$0xA0];
	v8 =	vadd.s32 v22, v43  }
0x237: {  	v9 =	vld [tilespmem:s3+$0xFFFFFFA0];
	v10 =	vadd.s32 v58, v39;
	[tilespmem:v5+s20+$0x0] =	vst.idx.msk $0xffff, v3  }
0x238: {  	v3 =	vld [tilespmem:s3+$0x160];
	v5 =	vadd.s32 v28, v46;
	[tilespmem:v60+s20+$0x0] =	vst.idx.msk $0xffff, v11  }
0x239: {  	v61 =	vadd.s32 v15, v34;
	v11 =	vld [tilespmem:s3+$0xFFFFFE30];
	[tilespmem:v4+s20+$0x0] =	vst.idx.msk $0xffff, v2  }
0x23a: {  	v2 =	vld [tilespmem:s3+$0x120];
	v4 =	vadd.s32 v53, v45;
	[tilespmem:v7+s20+$0x0] =	vst.idx.msk $0xffff, v6  }
0x23b: {  	v6 =	vld [tilespmem:s3+$0x60];
	v7 =	vadd.s32 v18, v42;
	[tilespmem:v8+s20+$0x0] =	vst.idx.msk $0xffff, v0  }
0x23c: {  	[tilespmem:v10+s20+$0x0] =	vst.idx.msk $0xffff, v9;
	v9 =	vld [tilespmem:s3+$0xE0];
	v10 =	vadd.s32 v26, v44  }
0x23d: {  	v0 =	vld [tilespmem:s3+$0xFFFFFE70];
	v8 =	vadd.s32 v19, v33;
	[tilespmem:v5+s20+$0x0] =	vst.idx.msk $0xffff, v3  }
0x23e: {  	v3 =	vld [tilespmem:s3+$0xFFFFFF30];
	v5 =	vadd.s32 v31, v37;
	[tilespmem:v61+s20+$0x0] =	vst.idx.msk $0xffff, v11  }
0x23f: {  	[tilespmem:v4+s20+$0x0] =	vst.idx.msk $0xffff, v2;
	v2 =	vld [tilespmem:s3+$0xFFFFFEF0];
	v4 =	vadd.s32 v27, v36  }
0x240: {  	[tilespmem:v7+s20+$0x0] =	vst.idx.msk $0xffff, v6;
	v6 =	vld [tilespmem:s3+$0x1A0];
	v7 =	vadd.s32 v58, v47  }
0x241: {  	[tilespmem:v10+s20+$0x0] =	vst.idx.msk $0xffff, v9;
	v9 =	vld [tilespmem:s3+$0xFFFFFEB0];
	v10 =	vadd.s32 v23, v35  }
0x242: {  	[tilespmem:v8+s20+$0x0] =	vst.idx.msk $0xffff, v0;
	v0 =	vld [tilespmem:s3+$0xFFFFFFB0];
	v8 =	vadd.s32 v30, v39  }
0x243: {  	[tilespmem:v5+s20+$0x0] =	vst.idx.msk $0xffff, v3;
	v3 =	vld [tilespmem:s3+$0x70];
	v5 =	vadd.s32 v19, v42  }
0x244: {  	[tilespmem:v4+s20+$0x0] =	vst.idx.msk $0xffff, v2;
	v2 =	vld [tilespmem:s3+$0x30];
	v4 =	vadd.s32 v15, v41  }
0x245: {  	[tilespmem:v7+s20+$0x0] =	vst.idx.msk $0xffff, v6;
	v6 =	vld [tilespmem:s3+$0xFFFFFF70];
	v7 =	vadd.s32 v29, v38  }
0x246: {  	[tilespmem:v10+s20+$0x0] =	vst.idx.msk $0xffff, v9;
	v9 =	vld [tilespmem:s3+$0xFFFFFFF0];
	v10 =	vadd.s32 v32, v40  }
0x247: {  	[tilespmem:v8+s20+$0x0] =	vst.idx.msk $0xffff, v0;
	v0 =	vld [tilespmem:s3+$0xF0];
	v8 =	vadd.s32 v27, v44  }
0x248: {  	[tilespmem:v5+s20+$0x0] =	vst.idx.msk $0xffff, v3;
	v3 =	vld [tilespmem:s3+$0x1B0];
	v5 =	vadd.s32 v30, v47  }
0x249: {  	[tilespmem:v4+s20+$0x0] =	vst.idx.msk $0xffff, v2;
	v2 =	vld [tilespmem:s3+$0x170];
	v4 =	vadd.s32 v29, v46  }
0x24a: {  	[tilespmem:v7+s20+$0x0] =	vst.idx.msk $0xffff, v6;
	v6 =	vld [tilespmem:s3+$0xB0];
	v7 =	vadd.s32 v23, v43  }
0x24b: {  	[tilespmem:v10+s20+$0x0] =	vst.idx.msk $0xffff, v9;
	v9 =	vld [tilespmem:s3+$0x130];
	v10 =	vadd.s32 v31, v45  }
0x24c: {  	[tilespmem:v8+s20+$0x0] =	vst.idx.msk $0xffff, v0;
	s3 =	sadd.s32 s1, s28  }
0x24d: {  	[tilespmem:v5+s20+$0x0] =	vst.idx.msk $0xffff, v3;
	s0 =	sshll.u32 s3, $0x7  }
0x24e: {  	s3 =	sshll.u32 s3, $0xA;
	s26 =	sand.u32 $0x3F80, s0;
	[tilespmem:v4+s20+$0x0] =	vst.idx.msk $0xffff, v2  }
0x24f: {  	s3 =	sand.u32 $0xFFE0000, s3;
	s26 =	sadd.s32 s4, s26;
	[tilespmem:v7+s20+$0x0] =	vst.idx.msk $0xffff, v6  }
0x250: {  	s0 =	simm.s32 $0x6300;
	s3 =	sadd.s32 s3, s26;
	[tilespmem:v10+s20+$0x0] =	vst.idx.msk $0xffff, v9  }
0x251: {  	[hbm4b:s3+s5] =	stream.linear.scatter [tilespmem:s0], [sflag:$0x6], $0x80, $0x38;
	[tilespmem:$0x8500] =	vst v63  }
0x252: {  	s28 =	sadd.s32 $0x10, s3;
	s0 =	simm.s32 $0x6388  }
0x253: {  	[hbm4b:s28+s5] =	stream.linear.scatter [tilespmem:s0], [sflag:$0x6], $0x80, $0x38;
	[tilespmem:$0x8500] =	vst v63  }
0x254: {  	s0 =	simm.s32 $0x6410;
	s28 =	sadd.s32 $0x20, s3  }
0x255: {  	[hbm4b:s28+s5] =	stream.linear.scatter [tilespmem:s0], [sflag:$0x6], $0x80, $0x38;
	[tilespmem:$0x8500] =	vst v63  }
0x256: {  	s0 =	simm.s32 $0x6498;
	s28 =	sadd.s32 $0x30, s3  }
0x257: {  	[hbm4b:s28+s5] =	stream.linear.scatter [tilespmem:s0], [sflag:$0x6], $0x80, $0x38;
	[tilespmem:$0x8500] =	vst v63  }
0x258: {  	s0 =	simm.s32 $0x6520;
	s28 =	sadd.s32 $0x40, s3  }
0x259: {  	[hbm4b:s28+s5] =	stream.linear.scatter [tilespmem:s0], [sflag:$0x6], $0x80, $0x38;
	[tilespmem:$0x8500] =	vst v63  }
0x25a: {  	s29 =	simm.s32 $0x2200;
	s0 =	simm.s32 $0x65A8;
	s28 =	sadd.s32 $0x50, s3  }
0x25b: {  	[hbm4b:s28+s5] =	stream.linear.scatter [tilespmem:s0], [sflag:$0x6], $0x80, $0x38;
	[tilespmem:$0x8500] =	vst v63  }
0x25c: {  	s30 =	simm.s32 $0x66B8;
	v32 =	vmov v53;
	s0 =	simm.s32 $0x6630;
	s28 =	sadd.s32 $0x60, s3  }
0x25d: {  	v30 =	vmovc v49;
	v29 =	vmovc v28;
	v28 =	vmov v55;
	v0 =	vmov v59;
	v8 =	vmov v50;
	[hbm4b:s28+s5] =	stream.linear.scatter [tilespmem:s0], [sflag:$0x6], $0x80, $0x38;
	[tilespmem:$0x8500] =	vst v63  }
0x25e: {  	v5 =	vmovc v20;
	v3 =	vmovc v57;
	v31 =	vmov v58;
	s26 =	simm.s32 $0x440;
	v6 =	vmov v56;
	v7 =	vmov v54;
	s31 =	sadd.s32 $0x70, s3;
	s28 =	sadd.s32 $0x4000, s3  }
.LBB2_9:
0x25f: {  	[hbm4b:s31+s5] =	stream.linear.scatter [tilespmem:s30], [sflag:$0x6], $0x80, $0x38;
	[tilespmem:$0x8500] =	vst v63  }
0x260: {  	s3 =	smov.u32 s26;
	s26 =	smov.u32 s29  }
0x261: {  	s0 =	sadd.s32 $0x1100, s29;
	s26 =	sshra.s32 s26, $0x2;
	s30 =	sadd.s32 $0x6300, s3  }
0x262: {  	[hbm4b:s28+s5] =	stream.linear.scatter [tilespmem:s30], [sflag:$0x6], $0x80, $0x38;
	[tilespmem:$0x8500] =	vst v63  }
0x263: {  	p0 =	sne.s32 s29, $0x7700;
	s29 =	sadd.s32 $0x6388, s3;
	s30 =	sadd.s32 $0x10, s28  }
0x264: {  	[hbm4b:s30+s5] =	stream.linear.scatter [tilespmem:s29], [sflag:$0x6], $0x80, $0x38;
	[tilespmem:$0x8500] =	vst v63  }
0x265: {  	s29 =	sadd.s32 $0x6410, s3;
	s30 =	sadd.s32 $0x20, s28  }
0x266: {  	[hbm4b:s30+s5] =	stream.linear.scatter [tilespmem:s29], [sflag:$0x6], $0x80, $0x38;
	[tilespmem:$0x8500] =	vst v63  }
0x267: {  	s29 =	sadd.s32 $0x6498, s3;
	s30 =	sadd.s32 $0x30, s28  }
0x268: {  	[hbm4b:s30+s5] =	stream.linear.scatter [tilespmem:s29], [sflag:$0x6], $0x80, $0x38;
	[tilespmem:$0x8500] =	vst v63  }
0x269: {  	s29 =	sadd.s32 $0x6520, s3;
	s30 =	sadd.s32 $0x40, s28  }
0x26a: {  	[hbm4b:s30+s5] =	stream.linear.scatter [tilespmem:s29], [sflag:$0x6], $0x80, $0x38;
	[tilespmem:$0x8500] =	vst v63  }
.Ltmp3:
0x26b: {  	s29 =	sadd.s32 $0x65A8, s3;
	s30 =	sadd.s32 $0x50, s28;
	(pc) =	sbr.rel @p0 .LBB2_9-.Ltmp3, $4  }
0x26c: {  	[hbm4b:s30+s5] =	stream.linear.scatter [tilespmem:s29], [sflag:$0x6], $0x80, $0x38;
	[tilespmem:$0x8500] =	vst v63  }
0x26d: {  	s31 =	sadd.s32 $0x70, s28;
	s29 =	sadd.s32 $0x6630, s3;
	s30 =	sadd.s32 $0x60, s28  }
0x26e: {  	[hbm4b:s30+s5] =	stream.linear.scatter [tilespmem:s29], [sflag:$0x6], $0x80, $0x38;
	[tilespmem:$0x8500] =	vst v63  }
0x26f: {  	s28 =	sadd.s32 $0x4000, s28;
	s30 =	sadd.s32 $0x66B8, s3;
	s29 =	smov.u32 s0  }
0x270: {  	[hbm4b:s31+s5] =	stream.linear.scatter [tilespmem:s30], [sflag:$0x6], $0x80, $0x38;
	[tilespmem:$0x8500] =	vst v63  }
0x271: {  	s0 =	sadd.s32 $0x6300, s26  }
0x272: {  	[hbm4b:s28+s5] =	stream.linear.scatter [tilespmem:s0], [sflag:$0x6], $0x80, $0x38;
	[tilespmem:$0x8500] =	vst v63  }
0x273: {  	s29 =	sadd.s32 $0x6388, s26;
	s3 =	sadd.s32 $0x10, s28  }
0x274: {  	[hbm4b:s3+s5] =	stream.linear.scatter [tilespmem:s29], [sflag:$0x6], $0x80, $0x38;
	[tilespmem:$0x8500] =	vst v63  }
0x275: {  	s30 =	sadd.s32 $0x6410, s26;
	s31 =	sadd.s32 $0x20, s28  }
0x276: {  	[hbm4b:s31+s5] =	stream.linear.scatter [tilespmem:s30], [sflag:$0x6], $0x80, $0x38;
	[tilespmem:$0x8500] =	vst v63  }
0x277: {  	s3 =	sadd.s32 $0x6498, s26;
	s29 =	sadd.s32 $0x30, s28  }
0x278: {  	[hbm4b:s29+s5] =	stream.linear.scatter [tilespmem:s3], [sflag:$0x6], $0x80, $0x38;
	[tilespmem:$0x8500] =	vst v63  }
0x279: {  	s30 =	sadd.s32 $0x6520, s26;
	s31 =	sadd.s32 $0x40, s28  }
0x27a: {  	[hbm4b:s31+s5] =	stream.linear.scatter [tilespmem:s30], [sflag:$0x6], $0x80, $0x38;
	[tilespmem:$0x8500] =	vst v63  }
0x27b: {  	s24 =	sadd.s32 $0x1, s24;
	s3 =	sadd.s32 $0x65A8, s26;
	s29 =	sadd.s32 $0x50, s28  }
0x27c: {  	[hbm4b:s29+s5] =	stream.linear.scatter [tilespmem:s3], [sflag:$0x6], $0x80, $0x38;
	[tilespmem:$0x8500] =	vst v63  }
0x27d: {  	p0 =	sne.s32 s24, $0x190;
	s29 =	smin.u32 s25, $0x31C  }
0x27e: {  	s30 =	sadd.s32 $0x6630, s26;
	s31 =	sadd.s32 $0x60, s28;
	s0 =	sadd.s32 s29, s10  }
0x27f: {  	[hbm4b:s31+s5] =	stream.linear.scatter [tilespmem:s30], [sflag:$0x6], $0x80, $0x38;
	[tilespmem:$0x8500] =	vst v63  }
0x280: {  	s26 =	sadd.s32 $0x66B8, s26;
	s28 =	sadd.s32 $0x70, s28;
	s30 =	sshll.u32 s0, $0xA  }
0x281: {  	s31 =	sshll.u32 s0, $0x7;
	s0 =	sand.u32 $0x380, s0;
	s3 =	sand.u32 $0x1FC00, s30  }
0x282: {  	[hbm4b:s28+s5] =	stream.linear.scatter [tilespmem:s26], [sflag:$0x6], $0x80, $0x38;
	[tilespmem:$0x8500] =	vst v63  }
.Ltmp4:
0x283: {  	s25 =	sand.u32 $0x7E0000, s31;
	s0 =	sor.u32 s0, s3;
	(pc) =	sbr.rel @p0 .LBB2_2-.Ltmp4, $4  }
0x284: {  	s0 =	sor.u32 s25, s0  }
0x285: {  	s0 =	sshrl.u32 s0, $0x3  }
0x286: {  	s0 =	sadd.s32 s2, s0  }
0x287: {  	[tilespmem:s13], [sflag:$0x2] =	stream.linear.gather [hbm4b:s0+s5], $0x80, $0x38;
	[tilespmem:$0x8500] =	vst v63  }
0x288: {  	_ =	swait.ge [sflag:s21], $0x2000  }
0x289: {  	[sflag:s21] =	ssyncset.done $0x0  }
0x28a: {  	[sflag:s21] =	ssyncadd.s32 $0xFFFFE000  }
0x28b: {  	_ =	swait.ge [sflag:s22], $0x2000  }
0x28c: {  	[sflag:s22] =	ssyncset.done $0x0  }
0x28d: {  	s23 =	sadd.s32 $0x1, s23;
	[sflag:s22] =	ssyncadd.s32 $0xFFFFE000  }
0x28e: {  	p0 =	sne.s32 s23, s11;
	_ =	swait.ge [sflag:s15], $0x2000  }
.Ltmp5:
0x28f: {  	[sflag:s15] =	ssyncset.done $0x0;
	(pc) =	sbr.rel @p0 .LBB2_1-.Ltmp5, $4  }
0x290: {  	[sflag:s15] =	ssyncadd.s32 $0xFFFFE000  }
0x291: {  	_ =	swait.ge [sflag:s16], $0x80  }
0x292: {  	[sflag:s16] =	ssyncset.done $0x0  }
0x293: {  	[sflag:s16] =	ssyncadd.s32 $0xFFFFFF80  }
0x294: {  	_ =	sfence.sel $0x180000  }
0x295: {  	[bflag:$0x0] =	sbarrier.arrive $0xFFFF  }
0x296: {  	_ =	strace $0x90000047  }
0x297: {  	s0 =	stileid.u32;
	[bflag:$0x2] =	sbarrier.arrive $0xFFFF  }
0x298: {  	p0 =	sne.s32 s0, $0x0;
	s0 =	rddreg [dreg:$0x3]  }
0x299: {  	s0 =	sadd.s32 @!p0 $0x100000, s0  }
0x29a: {  	[sflag:s0] =	ssyncadd.tile.s32 @!p0 $0x1;
	_ =	shalt  }
.Lfunc_end2:
_tile_overlayer_lowered:
.L_overlay_start_2:
0x29b: {  	(tag) =	ssettag $0x2  }
0x29c: {  	s0 =	rddreg [dreg:$0x0];
	s2 =	stileid.u32  }
0x29d: {  	s1 =	rddreg [dreg:$0x1];
	p0 =	sne.s32 s2, $0x0  }
0x29e: {  	s3 =	rddreg [dreg:$0x2];
	[bflag:$0x3] =	sbarrier.arrive $0xFFFF;
	s2 =	simm.s32 @!p0 $0x1C07  }
0x29f: {  	[timem:s3], [sflag:s2] =	dma.local @!p0 [hbm:s0], s1  }
0x2a0: {  	s0 =	simm.s32 @!p0 $0x7  }
0x2a1: {  	_ =	swait.ge @!p0 [sflag:s0], s1  }
0x2a2: {  	s1 =	ssub.s32 @!p0 $0x0, s1;
	[sflag:s0] =	ssyncset.done @!p0 $0x0  }
0x2a3: {  	[sflag:s0] =	ssyncadd.s32 @!p0 s1  }
0x2a4: {  	[bflag:$0x3] =	sbarrier.arrive $0xFFFF  }
0x2a5: {  	_ =	shalt  }

</sc_bundles>
